<compile_context>
chip_gen: v7x
topology: tpu7x:2x2x1
jax: 0.10.2.dev20260603
libtpu: 0.0.44.dev20260713+nightly
codegen_flags: <defaults>
</compile_context>

<pallas_src>
import jax
import jax.numpy as jnp
from jax import lax
from jax.experimental import pallas as pl
from jax.experimental.pallas import tpu as pltpu
from jax.experimental.pallas import tpu_sc as plsc

KC = 8192
DC = 256
BETA = 0.25

BN = 1024
BK = 512
_L = 128


def _argmin_body(xf_ref, xb_ref, ef_ref, eb_ref, idx_ref,
                 vm_ref, vi_ref, isb_ref):
    kb = pl.program_id(1)
    ones8 = jnp.ones((8, DC), jnp.float32)

    @pl.when(kb == 0)
    def _init():
        vm_ref[...] = jnp.full((BN, _L), jnp.inf, jnp.float32)
        vi_ref[...] = jnp.zeros((BN, _L), jnp.int32)
        x2 = xf_ref[...] * xf_ref[...]
        is8 = lax.dot_general(x2, ones8, (((1,), (1,)), ((), ())),
                              preferred_element_type=jnp.float32)
        isb_ref[...] = jnp.broadcast_to(is8[:, 0:1], (BN, _L))

    e = ef_ref[...]
    e2 = e * e
    cs8 = lax.dot_general(ones8, e2, (((1,), (1,)), ((), ())),
                          preferred_element_type=jnp.float32)
    xb = xb_ref[...]
    isb = isb_ref[...]
    vm = vm_ref[...]
    vi = vi_ref[...]
    lane = lax.broadcasted_iota(jnp.int32, (BN, _L), 1)
    for g in range(BK // _L):
        eg = eb_ref[pl.ds(g * _L, _L), :]
        dg = lax.dot_general(xb, eg, (((1,), (1,)), ((), ())),
                             preferred_element_type=jnp.float32)
        t = cs8[0:1, g * _L:(g + 1) * _L] + isb
        dis = t - 2.0 * dg
        gidx = lane + (kb * BK + g * _L)
        better = dis < vm
        vm = jnp.where(better, dis, vm)
        vi = jnp.where(better, gidx, vi)
    vm_ref[...] = vm
    vi_ref[...] = vi

    @pl.when(kb == KC // BK - 1)
    def _emit():
        v, ix = vm, vi
        for sh in (1, 2, 4, 8, 16, 32, 64):
            rv = pltpu.roll(v, sh, 1)
            ri = pltpu.roll(ix, sh, 1)
            b = (rv < v) | ((rv == v) & (ri < ix))
            v = jnp.where(b, rv, v)
            ix = jnp.where(b, ri, ix)
        idx_ref[...] = ix[:, 0]


def _argmin_call(xt, emb):
    n = xt.shape[0]
    xb16 = xt.astype(jnp.bfloat16)
    eb16 = emb.astype(jnp.bfloat16)
    return pl.pallas_call(
        _argmin_body,
        grid=(n // BN, KC // BK),
        in_specs=[
            pl.BlockSpec((BN, DC), lambda i, k: (i, 0)),
            pl.BlockSpec((BN, DC), lambda i, k: (i, 0)),
            pl.BlockSpec((BK, DC), lambda i, k: (k, 0)),
            pl.BlockSpec((BK, DC), lambda i, k: (k, 0)),
        ],
        out_specs=pl.BlockSpec((BN,), lambda i, k: (i,)),
        out_shape=jax.ShapeDtypeStruct((n,), jnp.int32),
        scratch_shapes=[
            pltpu.VMEM((BN, _L), jnp.float32),
            pltpu.VMEM((BN, _L), jnp.int32),
            pltpu.VMEM((BN, _L), jnp.float32),
        ],
        compiler_params=pltpu.CompilerParams(
            dimension_semantics=("arbitrary", "arbitrary"),
        ),
    )(xt, xb16, emb, eb16)


_NC = 2
_NS = 16
_NW = _NC * _NS
_CHUNK = 128
_TPW = 8192 // _NW
_NJ = _TPW // _CHUNK


def _sc_gather_body(emb_hbm, idx_hbm, quant_hbm, counts_hbm,
                    idx_v, rows_v, ones_v, zero_v, shared, sem):
    c = lax.axis_index("c")
    s = lax.axis_index("s")
    wid = s * _NC + c
    base = wid * _NJ

    pltpu.sync_copy(idx_hbm.at[pl.ds(base, _NJ)], idx_v)

    cps = [pltpu.async_copy(emb_hbm.at[idx_v.at[j]], rows_v.at[j], sem)
           for j in range(_NJ)]

    for u in range(_CHUNK // 16):
        ones_v[pl.ds(u * 16, 16)] = jnp.full((16,), 1.0, jnp.float32)
        zero_v[pl.ds(u * 16, 16)] = jnp.zeros((16,), jnp.float32)

    per_sub = KC // _NS
    for u in range(per_sub // _CHUNK):
        pltpu.sync_copy(zero_v, shared.at[pl.ds(s * per_sub + u * _CHUNK,
                                                _CHUNK)])
    plsc.subcore_barrier()
    for j in range(_NJ):
        pltpu.sync_copy(ones_v, shared.at[idx_v.at[j]], add=True)
    plsc.subcore_barrier()

    @pl.when(s == 0)
    def _emit_counts():
        pltpu.sync_copy(shared, counts_hbm.at[c])

    for cp in cps:
        cp.wait()
    pltpu.sync_copy(rows_v, quant_hbm.at[pl.ds(base, _NJ)])


def _sc_gather_call(emb, idx2d):
    mesh = plsc.VectorSubcoreMesh(core_axis_name="c", subcore_axis_name="s",
                                  num_cores=_NC, num_subcores=_NS)
    kern = pl.kernel(
        _sc_gather_body,
        out_type=[
            jax.ShapeDtypeStruct((64, _CHUNK, DC), jnp.float32),
            jax.ShapeDtypeStruct((_NC, KC), jnp.float32),
        ],
        mesh=mesh,
        scratch_types=[
            pltpu.VMEM((_NJ, _CHUNK), jnp.int32),
            pltpu.VMEM((_NJ, _CHUNK, DC), jnp.float32),
            pltpu.VMEM((_CHUNK,), jnp.float32),
            pltpu.VMEM((_CHUNK,), jnp.float32),
            pltpu.VMEM_SHARED((KC,), jnp.float32),
            pltpu.SemaphoreType.DMA,
        ],
    )
    return kern(emb, idx2d)


BN3 = 1024


def _finish_body(x_ref, q_ref, cnt_ref, y_ref, loss_ref, perp_ref, acc_ref):
    i = pl.program_id(0)

    @pl.when(i == 0)
    def _init():
        acc_ref[0, 0] = 0.0

    x = x_ref[...]
    q = q_ref[...]
    d = q - x
    y_ref[...] = x + d
    acc_ref[0, 0] += jnp.sum(d * d)

    @pl.when(i == pl.num_programs(0) - 1)
    def _emit():
        n_total = pl.num_programs(0) * BN3 * DC
        loss_ref[0, 0] = BETA * (acc_ref[0, 0] / n_total)
        cnt = cnt_ref[0:1, :] + cnt_ref[1:2, :]
        p = cnt * (1.0 / 8192.0)
        ent = jnp.sum(p * jnp.log(p + 1e-10))
        perp_ref[0, 0] = jnp.exp(-1.0 * ent)


def _finish_call(xt, quant, counts):
    n = xt.shape[0]
    return pl.pallas_call(
        _finish_body,
        grid=(n // BN3,),
        in_specs=[
            pl.BlockSpec((BN3, DC), lambda i: (i, 0)),
            pl.BlockSpec((BN3, DC), lambda i: (i, 0)),
            pl.BlockSpec((_NC, KC), lambda i: (0, 0)),
        ],
        out_specs=[
            pl.BlockSpec((BN3, DC), lambda i: (i, 0)),
            pl.BlockSpec(memory_space=pltpu.SMEM),
            pl.BlockSpec(memory_space=pltpu.SMEM),
        ],
        out_shape=[
            jax.ShapeDtypeStruct((n, DC), jnp.float32),
            jax.ShapeDtypeStruct((1, 1), jnp.float32),
            jax.ShapeDtypeStruct((1, 1), jnp.float32),
        ],
        scratch_shapes=[pltpu.SMEM((1, 1), jnp.float32)],
        compiler_params=pltpu.CompilerParams(
            dimension_semantics=("arbitrary",),
        ),
    )(xt, quant, counts)


def kernel(x, embedding):
    b, d, t = x.shape
    xt = jnp.transpose(x, (0, 2, 1)).reshape(-1, d)
    idx2d = _argmin_call(xt, embedding).reshape(-1, 128)
    quant3, counts = _sc_gather_call(embedding, idx2d)
    quant = quant3.reshape(-1, d)
    y, loss, perp = _finish_call(xt, quant, counts)
    yout = jnp.transpose(y.reshape(b, t, d), (0, 2, 1))
    return yout, loss.reshape(()), perp.reshape(())

# --- scband reference (transcript-rebuilt; emitter-appended) ---
"""Pipeline reference for scband-vector-quantize-ema-3272765079616 (READ-ONLY COPY).

The authoritative reference and input builder live on the scoring server;
editing this copy changes nothing except your own understanding.
"""

import jax, jax.numpy as jnp
import numpy as np

K = 8192
D = 256
BETA = 0.25

def setup_inputs(seed: int = 0) -> dict:
    key = jax.random.key(seed)
    k1, k2 = jax.random.split(key)
    x = jax.random.normal(k1, (8, 256, 1024), dtype=jnp.float32)
    embedding = jax.random.uniform(k2, (K, D), dtype=jnp.float32, minval=-1.0 / K, maxval=1.0 / K)
    return {"x": x, "embedding": embedding}

def reference(x, embedding):
    # x: [B, D, T] -> permute to [B, T, D]
    xt = jnp.transpose(x, (0, 2, 1))
    in_size = xt.shape
    flat_in = xt.reshape(-1, in_size[2])  # [N, D]
    code_sqr = jnp.sum(embedding ** 2, axis=1)            # [K]
    in_sqr = jnp.sum(flat_in ** 2, axis=1, keepdims=True)  # [N, 1]
    # addmm(code_sqr + in_sqr, flat_in, emb.T, alpha=-2, beta=1)
    dis = (code_sqr[None, :] + in_sqr) - 2.0 * (flat_in @ embedding.T)  # [N, K]
    encoding_ind = jnp.argmax(-1.0 * dis, axis=1)  # [N]
    encodings = jax.nn.one_hot(encoding_ind, K, dtype=jnp.float32)  # [N, K]
    # eval-mode path (no EMA buffer updates)
    quant = (encodings @ embedding).reshape(in_size)  # [B, T, D]
    vq_loss = BETA * jnp.mean((jax.lax.stop_gradient(quant) - xt) ** 2)
    quant = xt + jax.lax.stop_gradient(quant - xt)
    avg_probs = jnp.mean(encodings, axis=0)
    perp = jnp.exp(-1.0 * jnp.sum(avg_probs * jnp.log(avg_probs + 1e-10)))
    return (jnp.transpose(quant, (0, 2, 1)), vq_loss, perp)

if __name__ == "__main__":
    import jax
    _d = setup_inputs()
    print(jax.jit(kernel)(*tuple(_d.values())))

</pallas_src>

<mosaic_0001>
#map = affine_map<(d0, d1) -> (0, 0)>
#map1 = affine_map<(d0, d1) -> (0, 0, 0)>
module attributes {stable_mosaic.version = 14 : i64} {
  func.func @_sc_gather_body(%arg0: i32, %arg1: i32, %arg2: memref<8192x256xf32, #tpu.memory_space<hbm>>, %arg3: memref<64x128xi32, #tpu.memory_space<hbm>>, %arg4: memref<64x128x256xf32, #tpu.memory_space<hbm>>, %arg5: memref<2x8192xf32, #tpu.memory_space<hbm>>, %arg6: memref<2x128xi32, #tpu.memory_space<vmem>>, %arg7: memref<2x128x256xf32, #tpu.memory_space<vmem>>, %arg8: memref<128xf32, #tpu.memory_space<vmem>>, %arg9: memref<128xf32, #tpu.memory_space<vmem>>, %arg10: memref<8192xf32, #tpu.memory_space<vmem_shared>>, %arg11: memref<!tpu.dma_semaphore, #tpu.memory_space<semaphore_mem>>) attributes {dimension_semantics = [#tpu.dimension_semantics<core_parallel>, #tpu.dimension_semantics<subcore_parallel>], iteration_bounds = array<i64: 2, 16>, scalar_prefetch = 0 : i64, scratch_operands = 6 : i64, tpu.core_type = #tpu.core_type<sc_vector_subcore>, window_params = [{transform_indices = #map}, {transform_indices = #map}, {transform_indices = #map1}, {transform_indices = #map}]} {
    %mul3A = arith.constant 2 : i32
    %mul3A_0 = arith.muli %arg1, %mul3A : i32
    %add3A = arith.addi %mul3A_0, %arg0 : i32
    %mul3A_1 = arith.constant 2 : i32
    %mul3A_2 = arith.muli %add3A, %mul3A_1 : i32
    "tpu.region"() ({
      %run_scoped3A_163 = tpu.sem_alloc : memref<!tpu.dma_semaphore, #tpu.memory_space<semaphore_mem>>
      %dma_start3A_164 = arith.constant 0 : i32
      %dma_start3A_165 = tpu.memref_slice %arg3[%mul3A_2, %dma_start3A_164] : memref<64x128xi32, #tpu.memory_space<hbm>> -> memref<2x128xi32, #tpu.memory_space<hbm>>
      %dma_start3A_166 = arith.constant 0 : i32
      %dma_start3A_167 = tpu.memref_slice %arg3[%mul3A_2, %dma_start3A_166] : memref<64x128xi32, #tpu.memory_space<hbm>> -> memref<2x128xi32, #tpu.memory_space<hbm>>
      tpu.enqueue_dma source(%dma_start3A_167 : memref<2x128xi32, #tpu.memory_space<hbm>>) target(%arg6 : memref<2x128xi32, #tpu.memory_space<vmem>>) target_semaphore(%run_scoped3A_163 : memref<!tpu.dma_semaphore, #tpu.memory_space<semaphore_mem>>)
      %dma_wait3A_168 = arith.constant 0 : i32
      %dma_wait3A_169 = tpu.memref_slice %arg3[%mul3A_2, %dma_wait3A_168] : memref<64x128xi32, #tpu.memory_space<hbm>> -> memref<2x128xi32, #tpu.memory_space<hbm>>
      %dma_wait3A_170 = arith.constant 0 : i32
      %dma_wait3A_171 = tpu.memref_slice %arg3[%mul3A_2, %dma_wait3A_170] : memref<64x128xi32, #tpu.memory_space<hbm>> -> memref<2x128xi32, #tpu.memory_space<hbm>>
      tpu.wait_dma2 semaphore(%run_scoped3A_163 : memref<!tpu.dma_semaphore, #tpu.memory_space<semaphore_mem>>) src(%dma_wait3A_171 : memref<2x128xi32, #tpu.memory_space<hbm>>) dst(%arg6 : memref<2x128xi32, #tpu.memory_space<vmem>>)
      tpu.yield
    }) : () -> ()
    %dma_start3A = arith.constant 0 : i32
    %dma_start3A_3 = arith.constant 0 : i32
    %dma_start3A_4 = arith.constant 0 : i32
    %dma_start3A_5 = arith.constant 0 : i32
    %dma_start3A_6 = tpu.memref_slice %arg7[%dma_start3A_3, %dma_start3A_4, %dma_start3A_5] : memref<2x128x256xf32, #tpu.memory_space<vmem>> -> memref<1x128x256xf32, #tpu.memory_space<vmem>>
    %dma_start3A_7 = tpu.memref_squeeze %dma_start3A_6 : memref<1x128x256xf32, #tpu.memory_space<vmem>> -> memref<128x256xf32, #tpu.memory_space<vmem>>
    %dma_start3A_8 = arith.constant 0 : i32
    %dma_start3A_9 = tpu.memref_slice %arg6[%dma_start3A, %dma_start3A_8] : memref<2x128xi32, #tpu.memory_space<vmem>> -> memref<1x128xi32, #tpu.memory_space<vmem>>
    %dma_start3A_10 = tpu.memref_squeeze %dma_start3A_9 : memref<1x128xi32, #tpu.memory_space<vmem>> -> memref<128xi32, #tpu.memory_space<vmem>>
    %dma_start3A_11 = arith.constant 0 : i32
    %dma_start3A_12 = arith.constant 0 : i32
    %dma_start3A_13 = tpu.memref_slice %arg2[%dma_start3A_11, %dma_start3A_12] : memref<8192x256xf32, #tpu.memory_space<hbm>> -> memref<8192x256xf32, #tpu.memory_space<hbm>>
    tpu.enqueue_indirect_dma source(%dma_start3A_13 : memref<8192x256xf32, #tpu.memory_space<hbm>>) target(%dma_start3A_7 : memref<128x256xf32, #tpu.memory_space<vmem>>) offsets(%dma_start3A_10 : memref<128xi32, #tpu.memory_space<vmem>>) semaphore(%arg11 : memref<!tpu.dma_semaphore, #tpu.memory_space<semaphore_mem>>)
    %dma_start3A_14 = arith.constant 1 : i32
    %dma_start3A_15 = arith.constant 1 : i32
    %dma_start3A_16 = arith.constant 0 : i32
    %dma_start3A_17 = arith.constant 0 : i32
    %dma_start3A_18 = tpu.memref_slice %arg7[%dma_start3A_15, %dma_start3A_16, %dma_start3A_17] : memref<2x128x256xf32, #tpu.memory_space<vmem>> -> memref<1x128x256xf32, #tpu.memory_space<vmem>>
    %dma_start3A_19 = tpu.memref_squeeze %dma_start3A_18 : memref<1x128x256xf32, #tpu.memory_space<vmem>> -> memref<128x256xf32, #tpu.memory_space<vmem>>
    %dma_start3A_20 = arith.constant 0 : i32
    %dma_start3A_21 = tpu.memref_slice %arg6[%dma_start3A_14, %dma_start3A_20] : memref<2x128xi32, #tpu.memory_space<vmem>> -> memref<1x128xi32, #tpu.memory_space<vmem>>
    %dma_start3A_22 = tpu.memref_squeeze %dma_start3A_21 : memref<1x128xi32, #tpu.memory_space<vmem>> -> memref<128xi32, #tpu.memory_space<vmem>>
    %dma_start3A_23 = arith.constant 0 : i32
    %dma_start3A_24 = arith.constant 0 : i32
    %dma_start3A_25 = tpu.memref_slice %arg2[%dma_start3A_23, %dma_start3A_24] : memref<8192x256xf32, #tpu.memory_space<hbm>> -> memref<8192x256xf32, #tpu.memory_space<hbm>>
    tpu.enqueue_indirect_dma source(%dma_start3A_25 : memref<8192x256xf32, #tpu.memory_space<hbm>>) target(%dma_start3A_19 : memref<128x256xf32, #tpu.memory_space<vmem>>) offsets(%dma_start3A_22 : memref<128xi32, #tpu.memory_space<vmem>>) semaphore(%arg11 : memref<!tpu.dma_semaphore, #tpu.memory_space<semaphore_mem>>)
    %broadcast_in_dim3A = arith.constant 1.000000e+00 : f32
    %broadcast_in_dim3A_26 = vector.broadcast %broadcast_in_dim3A : f32 to vector<16xf32>
    %swap3A = arith.constant 0 : index
    %swap3A_27 = tpu.vector_load %arg8[%swap3A] {strides = array<i32>} : memref<128xf32, #tpu.memory_space<vmem>>, vector<16xf32>,
    %swap3A_28 = vector.shape_cast %swap3A_27 : vector<16xf32> to vector<16xf32>
    %swap3A_29 = vector.shape_cast %broadcast_in_dim3A_26 : vector<16xf32> to vector<16xf32>
    tpu.vector_store %arg8[%swap3A], %swap3A_29 {strides = array<i32>} : memref<128xf32, #tpu.memory_space<vmem>>, vector<16xf32>,
    %broadcast_in_dim3A_30 = arith.constant 0.000000e+00 : f32
    %broadcast_in_dim3A_31 = vector.broadcast %broadcast_in_dim3A_30 : f32 to vector<16xf32>
    %swap3A_32 = arith.constant 0 : index
    %swap3A_33 = tpu.vector_load %arg9[%swap3A_32] {strides = array<i32>} : memref<128xf32, #tpu.memory_space<vmem>>, vector<16xf32>,
    %swap3A_34 = vector.shape_cast %swap3A_33 : vector<16xf32> to vector<16xf32>
    %swap3A_35 = vector.shape_cast %broadcast_in_dim3A_31 : vector<16xf32> to vector<16xf32>
    tpu.vector_store %arg9[%swap3A_32], %swap3A_35 {strides = array<i32>} : memref<128xf32, #tpu.memory_space<vmem>>, vector<16xf32>,
    %broadcast_in_dim3A_36 = arith.constant 1.000000e+00 : f32
    %broadcast_in_dim3A_37 = vector.broadcast %broadcast_in_dim3A_36 : f32 to vector<16xf32>
    %swap3A_38 = arith.constant 16 : index
    %swap3A_39 = tpu.vector_load %arg8[%swap3A_38] {strides = array<i32>} : memref<128xf32, #tpu.memory_space<vmem>>, vector<16xf32>,
    %swap3A_40 = vector.shape_cast %swap3A_39 : vector<16xf32> to vector<16xf32>
    %swap3A_41 = vector.shape_cast %broadcast_in_dim3A_37 : vector<16xf32> to vector<16xf32>
    tpu.vector_store %arg8[%swap3A_38], %swap3A_41 {strides = array<i32>} : memref<128xf32, #tpu.memory_space<vmem>>, vector<16xf32>,
    %broadcast_in_dim3A_42 = arith.constant 0.000000e+00 : f32
    %broadcast_in_dim3A_43 = vector.broadcast %broadcast_in_dim3A_42 : f32 to vector<16xf32>
    %swap3A_44 = arith.constant 16 : index
    %swap3A_45 = tpu.vector_load %arg9[%swap3A_44] {strides = array<i32>} : memref<128xf32, #tpu.memory_space<vmem>>, vector<16xf32>,
    %swap3A_46 = vector.shape_cast %swap3A_45 : vector<16xf32> to vector<16xf32>
    %swap3A_47 = vector.shape_cast %broadcast_in_dim3A_43 : vector<16xf32> to vector<16xf32>
    tpu.vector_store %arg9[%swap3A_44], %swap3A_47 {strides = array<i32>} : memref<128xf32, #tpu.memory_space<vmem>>, vector<16xf32>,
    %broadcast_in_dim3A_48 = arith.constant 1.000000e+00 : f32
    %broadcast_in_dim3A_49 = vector.broadcast %broadcast_in_dim3A_48 : f32 to vector<16xf32>
    %swap3A_50 = arith.constant 32 : index
    %swap3A_51 = tpu.vector_load %arg8[%swap3A_50] {strides = array<i32>} : memref<128xf32, #tpu.memory_space<vmem>>, vector<16xf32>,
    %swap3A_52 = vector.shape_cast %swap3A_51 : vector<16xf32> to vector<16xf32>
    %swap3A_53 = vector.shape_cast %broadcast_in_dim3A_49 : vector<16xf32> to vector<16xf32>
    tpu.vector_store %arg8[%swap3A_50], %swap3A_53 {strides = array<i32>} : memref<128xf32, #tpu.memory_space<vmem>>, vector<16xf32>,
    %broadcast_in_dim3A_54 = arith.constant 0.000000e+00 : f32
    %broadcast_in_dim3A_55 = vector.broadcast %broadcast_in_dim3A_54 : f32 to vector<16xf32>
    %swap3A_56 = arith.constant 32 : index
    %swap3A_57 = tpu.vector_load %arg9[%swap3A_56] {strides = array<i32>} : memref<128xf32, #tpu.memory_space<vmem>>, vector<16xf32>,
    %swap3A_58 = vector.shape_cast %swap3A_57 : vector<16xf32> to vector<16xf32>
    %swap3A_59 = vector.shape_cast %broadcast_in_dim3A_55 : vector<16xf32> to vector<16xf32>
    tpu.vector_store %arg9[%swap3A_56], %swap3A_59 {strides = array<i32>} : memref<128xf32, #tpu.memory_space<vmem>>, vector<16xf32>,
    %broadcast_in_dim3A_60 = arith.constant 1.000000e+00 : f32
    %broadcast_in_dim3A_61 = vector.broadcast %broadcast_in_dim3A_60 : f32 to vector<16xf32>
    %swap3A_62 = arith.constant 48 : index
    %swap3A_63 = tpu.vector_load %arg8[%swap3A_62] {strides = array<i32>} : memref<128xf32, #tpu.memory_space<vmem>>, vector<16xf32>,
    %swap3A_64 = vector.shape_cast %swap3A_63 : vector<16xf32> to vector<16xf32>
    %swap3A_65 = vector.shape_cast %broadcast_in_dim3A_61 : vector<16xf32> to vector<16xf32>
    tpu.vector_store %arg8[%swap3A_62], %swap3A_65 {strides = array<i32>} : memref<128xf32, #tpu.memory_space<vmem>>, vector<16xf32>,
    %broadcast_in_dim3A_66 = arith.constant 0.000000e+00 : f32
    %broadcast_in_dim3A_67 = vector.broadcast %broadcast_in_dim3A_66 : f32 to vector<16xf32>
    %swap3A_68 = arith.constant 48 : index
    %swap3A_69 = tpu.vector_load %arg9[%swap3A_68] {strides = array<i32>} : memref<128xf32, #tpu.memory_space<vmem>>, vector<16xf32>,
    %swap3A_70 = vector.shape_cast %swap3A_69 : vector<16xf32> to vector<16xf32>
    %swap3A_71 = vector.shape_cast %broadcast_in_dim3A_67 : vector<16xf32> to vector<16xf32>
    tpu.vector_store %arg9[%swap3A_68], %swap3A_71 {strides = array<i32>} : memref<128xf32, #tpu.memory_space<vmem>>, vector<16xf32>,
    %broadcast_in_dim3A_72 = arith.constant 1.000000e+00 : f32
    %broadcast_in_dim3A_73 = vector.broadcast %broadcast_in_dim3A_72 : f32 to vector<16xf32>
    %swap3A_74 = arith.constant 64 : index
    %swap3A_75 = tpu.vector_load %arg8[%swap3A_74] {strides = array<i32>} : memref<128xf32, #tpu.memory_space<vmem>>, vector<16xf32>,
    %swap3A_76 = vector.shape_cast %swap3A_75 : vector<16xf32> to vector<16xf32>
    %swap3A_77 = vector.shape_cast %broadcast_in_dim3A_73 : vector<16xf32> to vector<16xf32>
    tpu.vector_store %arg8[%swap3A_74], %swap3A_77 {strides = array<i32>} : memref<128xf32, #tpu.memory_space<vmem>>, vector<16xf32>,
    %broadcast_in_dim3A_78 = arith.constant 0.000000e+00 : f32
    %broadcast_in_dim3A_79 = vector.broadcast %broadcast_in_dim3A_78 : f32 to vector<16xf32>
    %swap3A_80 = arith.constant 64 : index
    %swap3A_81 = tpu.vector_load %arg9[%swap3A_80] {strides = array<i32>} : memref<128xf32, #tpu.memory_space<vmem>>, vector<16xf32>,
    %swap3A_82 = vector.shape_cast %swap3A_81 : vector<16xf32> to vector<16xf32>
    %swap3A_83 = vector.shape_cast %broadcast_in_dim3A_79 : vector<16xf32> to vector<16xf32>
    tpu.vector_store %arg9[%swap3A_80], %swap3A_83 {strides = array<i32>} : memref<128xf32, #tpu.memory_space<vmem>>, vector<16xf32>,
    %broadcast_in_dim3A_84 = arith.constant 1.000000e+00 : f32
    %broadcast_in_dim3A_85 = vector.broadcast %broadcast_in_dim3A_84 : f32 to vector<16xf32>
    %swap3A_86 = arith.constant 80 : index
    %swap3A_87 = tpu.vector_load %arg8[%swap3A_86] {strides = array<i32>} : memref<128xf32, #tpu.memory_space<vmem>>, vector<16xf32>,
    %swap3A_88 = vector.shape_cast %swap3A_87 : vector<16xf32> to vector<16xf32>
    %swap3A_89 = vector.shape_cast %broadcast_in_dim3A_85 : vector<16xf32> to vector<16xf32>
    tpu.vector_store %arg8[%swap3A_86], %swap3A_89 {strides = array<i32>} : memref<128xf32, #tpu.memory_space<vmem>>, vector<16xf32>,
    %broadcast_in_dim3A_90 = arith.constant 0.000000e+00 : f32
    %broadcast_in_dim3A_91 = vector.broadcast %broadcast_in_dim3A_90 : f32 to vector<16xf32>
    %swap3A_92 = arith.constant 80 : index
    %swap3A_93 = tpu.vector_load %arg9[%swap3A_92] {strides = array<i32>} : memref<128xf32, #tpu.memory_space<vmem>>, vector<16xf32>,
    %swap3A_94 = vector.shape_cast %swap3A_93 : vector<16xf32> to vector<16xf32>
    %swap3A_95 = vector.shape_cast %broadcast_in_dim3A_91 : vector<16xf32> to vector<16xf32>
    tpu.vector_store %arg9[%swap3A_92], %swap3A_95 {strides = array<i32>} : memref<128xf32, #tpu.memory_space<vmem>>, vector<16xf32>,
    %broadcast_in_dim3A_96 = arith.constant 1.000000e+00 : f32
    %broadcast_in_dim3A_97 = vector.broadcast %broadcast_in_dim3A_96 : f32 to vector<16xf32>
    %swap3A_98 = arith.constant 96 : index
    %swap3A_99 = tpu.vector_load %arg8[%swap3A_98] {strides = array<i32>} : memref<128xf32, #tpu.memory_space<vmem>>, vector<16xf32>,
    %swap3A_100 = vector.shape_cast %swap3A_99 : vector<16xf32> to vector<16xf32>
    %swap3A_101 = vector.shape_cast %broadcast_in_dim3A_97 : vector<16xf32> to vector<16xf32>
    tpu.vector_store %arg8[%swap3A_98], %swap3A_101 {strides = array<i32>} : memref<128xf32, #tpu.memory_space<vmem>>, vector<16xf32>,
    %broadcast_in_dim3A_102 = arith.constant 0.000000e+00 : f32
    %broadcast_in_dim3A_103 = vector.broadcast %broadcast_in_dim3A_102 : f32 to vector<16xf32>
    %swap3A_104 = arith.constant 96 : index
    %swap3A_105 = tpu.vector_load %arg9[%swap3A_104] {strides = array<i32>} : memref<128xf32, #tpu.memory_space<vmem>>, vector<16xf32>,
    %swap3A_106 = vector.shape_cast %swap3A_105 : vector<16xf32> to vector<16xf32>
    %swap3A_107 = vector.shape_cast %broadcast_in_dim3A_103 : vector<16xf32> to vector<16xf32>
    tpu.vector_store %arg9[%swap3A_104], %swap3A_107 {strides = array<i32>} : memref<128xf32, #tpu.memory_space<vmem>>, vector<16xf32>,
    %broadcast_in_dim3A_108 = arith.constant 1.000000e+00 : f32
    %broadcast_in_dim3A_109 = vector.broadcast %broadcast_in_dim3A_108 : f32 to vector<16xf32>
    %swap3A_110 = arith.constant 112 : index
    %swap3A_111 = tpu.vector_load %arg8[%swap3A_110] {strides = array<i32>} : memref<128xf32, #tpu.memory_space<vmem>>, vector<16xf32>,
    %swap3A_112 = vector.shape_cast %swap3A_111 : vector<16xf32> to vector<16xf32>
    %swap3A_113 = vector.shape_cast %broadcast_in_dim3A_109 : vector<16xf32> to vector<16xf32>
    tpu.vector_store %arg8[%swap3A_110], %swap3A_113 {strides = array<i32>} : memref<128xf32, #tpu.memory_space<vmem>>, vector<16xf32>,
    %broadcast_in_dim3A_114 = arith.constant 0.000000e+00 : f32
    %broadcast_in_dim3A_115 = vector.broadcast %broadcast_in_dim3A_114 : f32 to vector<16xf32>
    %swap3A_116 = arith.constant 112 : index
    %swap3A_117 = tpu.vector_load %arg9[%swap3A_116] {strides = array<i32>} : memref<128xf32, #tpu.memory_space<vmem>>, vector<16xf32>,
    %swap3A_118 = vector.shape_cast %swap3A_117 : vector<16xf32> to vector<16xf32>
    %swap3A_119 = vector.shape_cast %broadcast_in_dim3A_115 : vector<16xf32> to vector<16xf32>
    tpu.vector_store %arg9[%swap3A_116], %swap3A_119 {strides = array<i32>} : memref<128xf32, #tpu.memory_space<vmem>>, vector<16xf32>,
    %mul3A_120 = arith.constant 512 : i32
    %mul3A_121 = arith.muli %arg1, %mul3A_120 : i32
    %add3A_122 = arith.constant 0 : i32
    %add3A_123 = arith.addi %mul3A_121, %add3A_122 : i32
    "tpu.region"() ({
      %run_scoped3A_163 = tpu.sem_alloc : memref<!tpu.dma_semaphore, #tpu.memory_space<semaphore_mem>>
      %dma_start3A_164 = tpu.memref_slice %arg10[%add3A_123] : memref<8192xf32, #tpu.memory_space<vmem_shared>> -> memref<128xf32, #tpu.memory_space<vmem_shared>>
      %dma_start3A_165 = tpu.memref_slice %arg10[%add3A_123] : memref<8192xf32, #tpu.memory_space<vmem_shared>> -> memref<128xf32, #tpu.memory_space<vmem_shared>>
      tpu.enqueue_dma source(%arg9 : memref<128xf32, #tpu.memory_space<vmem>>) target(%dma_start3A_165 : memref<128xf32, #tpu.memory_space<vmem_shared>>) target_semaphore(%run_scoped3A_163 : memref<!tpu.dma_semaphore, #tpu.memory_space<semaphore_mem>>)
      %dma_wait3A_166 = tpu.memref_slice %arg10[%add3A_123] : memref<8192xf32, #tpu.memory_space<vmem_shared>> -> memref<128xf32, #tpu.memory_space<vmem_shared>>
      %dma_wait3A_167 = tpu.memref_slice %arg10[%add3A_123] : memref<8192xf32, #tpu.memory_space<vmem_shared>> -> memref<128xf32, #tpu.memory_space<vmem_shared>>
      tpu.wait_dma2 semaphore(%run_scoped3A_163 : memref<!tpu.dma_semaphore, #tpu.memory_space<semaphore_mem>>) src(%arg9 : memref<128xf32, #tpu.memory_space<vmem>>) dst(%dma_wait3A_167 : memref<128xf32, #tpu.memory_space<vmem_shared>>)
      tpu.yield
    }) : () -> ()
    %mul3A_124 = arith.constant 512 : i32
    %mul3A_125 = arith.muli %arg1, %mul3A_124 : i32
    %add3A_126 = arith.constant 128 : i32
    %add3A_127 = arith.addi %mul3A_125, %add3A_126 : i32
    "tpu.region"() ({
      %run_scoped3A_163 = tpu.sem_alloc : memref<!tpu.dma_semaphore, #tpu.memory_space<semaphore_mem>>
      %dma_start3A_164 = tpu.memref_slice %arg10[%add3A_127] : memref<8192xf32, #tpu.memory_space<vmem_shared>> -> memref<128xf32, #tpu.memory_space<vmem_shared>>
      %dma_start3A_165 = tpu.memref_slice %arg10[%add3A_127] : memref<8192xf32, #tpu.memory_space<vmem_shared>> -> memref<128xf32, #tpu.memory_space<vmem_shared>>
      tpu.enqueue_dma source(%arg9 : memref<128xf32, #tpu.memory_space<vmem>>) target(%dma_start3A_165 : memref<128xf32, #tpu.memory_space<vmem_shared>>) target_semaphore(%run_scoped3A_163 : memref<!tpu.dma_semaphore, #tpu.memory_space<semaphore_mem>>)
      %dma_wait3A_166 = tpu.memref_slice %arg10[%add3A_127] : memref<8192xf32, #tpu.memory_space<vmem_shared>> -> memref<128xf32, #tpu.memory_space<vmem_shared>>
      %dma_wait3A_167 = tpu.memref_slice %arg10[%add3A_127] : memref<8192xf32, #tpu.memory_space<vmem_shared>> -> memref<128xf32, #tpu.memory_space<vmem_shared>>
      tpu.wait_dma2 semaphore(%run_scoped3A_163 : memref<!tpu.dma_semaphore, #tpu.memory_space<semaphore_mem>>) src(%arg9 : memref<128xf32, #tpu.memory_space<vmem>>) dst(%dma_wait3A_167 : memref<128xf32, #tpu.memory_space<vmem_shared>>)
      tpu.yield
    }) : () -> ()
    %mul3A_128 = arith.constant 512 : i32
    %mul3A_129 = arith.muli %arg1, %mul3A_128 : i32
    %add3A_130 = arith.constant 256 : i32
    %add3A_131 = arith.addi %mul3A_129, %add3A_130 : i32
    "tpu.region"() ({
      %run_scoped3A_163 = tpu.sem_alloc : memref<!tpu.dma_semaphore, #tpu.memory_space<semaphore_mem>>
      %dma_start3A_164 = tpu.memref_slice %arg10[%add3A_131] : memref<8192xf32, #tpu.memory_space<vmem_shared>> -> memref<128xf32, #tpu.memory_space<vmem_shared>>
      %dma_start3A_165 = tpu.memref_slice %arg10[%add3A_131] : memref<8192xf32, #tpu.memory_space<vmem_shared>> -> memref<128xf32, #tpu.memory_space<vmem_shared>>
      tpu.enqueue_dma source(%arg9 : memref<128xf32, #tpu.memory_space<vmem>>) target(%dma_start3A_165 : memref<128xf32, #tpu.memory_space<vmem_shared>>) target_semaphore(%run_scoped3A_163 : memref<!tpu.dma_semaphore, #tpu.memory_space<semaphore_mem>>)
      %dma_wait3A_166 = tpu.memref_slice %arg10[%add3A_131] : memref<8192xf32, #tpu.memory_space<vmem_shared>> -> memref<128xf32, #tpu.memory_space<vmem_shared>>
      %dma_wait3A_167 = tpu.memref_slice %arg10[%add3A_131] : memref<8192xf32, #tpu.memory_space<vmem_shared>> -> memref<128xf32, #tpu.memory_space<vmem_shared>>
      tpu.wait_dma2 semaphore(%run_scoped3A_163 : memref<!tpu.dma_semaphore, #tpu.memory_space<semaphore_mem>>) src(%arg9 : memref<128xf32, #tpu.memory_space<vmem>>) dst(%dma_wait3A_167 : memref<128xf32, #tpu.memory_space<vmem_shared>>)
      tpu.yield
    }) : () -> ()
    %mul3A_132 = arith.constant 512 : i32
    %mul3A_133 = arith.muli %arg1, %mul3A_132 : i32
    %add3A_134 = arith.constant 384 : i32
    %add3A_135 = arith.addi %mul3A_133, %add3A_134 : i32
    "tpu.region"() ({
      %run_scoped3A_163 = tpu.sem_alloc : memref<!tpu.dma_semaphore, #tpu.memory_space<semaphore_mem>>
      %dma_start3A_164 = tpu.memref_slice %arg10[%add3A_135] : memref<8192xf32, #tpu.memory_space<vmem_shared>> -> memref<128xf32, #tpu.memory_space<vmem_shared>>
      %dma_start3A_165 = tpu.memref_slice %arg10[%add3A_135] : memref<8192xf32, #tpu.memory_space<vmem_shared>> -> memref<128xf32, #tpu.memory_space<vmem_shared>>
      tpu.enqueue_dma source(%arg9 : memref<128xf32, #tpu.memory_space<vmem>>) target(%dma_start3A_165 : memref<128xf32, #tpu.memory_space<vmem_shared>>) target_semaphore(%run_scoped3A_163 : memref<!tpu.dma_semaphore, #tpu.memory_space<semaphore_mem>>)
      %dma_wait3A_166 = tpu.memref_slice %arg10[%add3A_135] : memref<8192xf32, #tpu.memory_space<vmem_shared>> -> memref<128xf32, #tpu.memory_space<vmem_shared>>
      %dma_wait3A_167 = tpu.memref_slice %arg10[%add3A_135] : memref<8192xf32, #tpu.memory_space<vmem_shared>> -> memref<128xf32, #tpu.memory_space<vmem_shared>>
      tpu.wait_dma2 semaphore(%run_scoped3A_163 : memref<!tpu.dma_semaphore, #tpu.memory_space<semaphore_mem>>) src(%arg9 : memref<128xf32, #tpu.memory_space<vmem>>) dst(%dma_wait3A_167 : memref<128xf32, #tpu.memory_space<vmem_shared>>)
      tpu.yield
    }) : () -> ()
    %barrier3A = arith.constant 0 : index
    tpu.barrier barrier_id(%barrier3A)
    %run_scoped3A = arith.constant 0 : i32
    "tpu.region"() ({
      %run_scoped3A_163 = tpu.sem_alloc : memref<!tpu.dma_semaphore, #tpu.memory_space<semaphore_mem>>
      %dma_start3A_164 = arith.constant 0 : i32
      %dma_start3A_165 = tpu.memref_slice %arg6[%run_scoped3A, %dma_start3A_164] : memref<2x128xi32, #tpu.memory_space<vmem>> -> memref<1x128xi32, #tpu.memory_space<vmem>>
      %dma_start3A_166 = tpu.memref_squeeze %dma_start3A_165 : memref<1x128xi32, #tpu.memory_space<vmem>> -> memref<128xi32, #tpu.memory_space<vmem>>
      %dma_start3A_167 = arith.constant 0 : i32
      %dma_start3A_168 = tpu.memref_slice %arg10[%dma_start3A_167] : memref<8192xf32, #tpu.memory_space<vmem_shared>> -> memref<8192xf32, #tpu.memory_space<vmem_shared>>
      tpu.enqueue_indirect_dma source(%arg8 : memref<128xf32, #tpu.memory_space<vmem>>) target(%dma_start3A_168 : memref<8192xf32, #tpu.memory_space<vmem_shared>>) offsets(%dma_start3A_166 : memref<128xi32, #tpu.memory_space<vmem>>) semaphore(%run_scoped3A_163 : memref<!tpu.dma_semaphore, #tpu.memory_space<semaphore_mem>>) {add = true}
      %dma_wait3A_169 = arith.constant 0 : i32
      %dma_wait3A_170 = tpu.memref_slice %arg6[%run_scoped3A, %dma_wait3A_169] : memref<2x128xi32, #tpu.memory_space<vmem>> -> memref<1x128xi32, #tpu.memory_space<vmem>>
      %dma_wait3A_171 = tpu.memref_squeeze %dma_wait3A_170 : memref<1x128xi32, #tpu.memory_space<vmem>> -> memref<128xi32, #tpu.memory_space<vmem>>
      %dma_wait3A_172 = arith.constant 0 : i32
      %dma_wait3A_173 = tpu.memref_slice %arg10[%dma_wait3A_172] : memref<8192xf32, #tpu.memory_space<vmem_shared>> -> memref<8192xf32, #tpu.memory_space<vmem_shared>>
      tpu.wait_indirect_dma semaphore(%run_scoped3A_163 : memref<!tpu.dma_semaphore, #tpu.memory_space<semaphore_mem>>) src(%arg8 : memref<128xf32, #tpu.memory_space<vmem>>) dst(%dma_wait3A_173 : memref<8192xf32, #tpu.memory_space<vmem_shared>>)
      tpu.yield
    }) : () -> ()
    %run_scoped3A_136 = arith.constant 1 : i32
    "tpu.region"() ({
      %run_scoped3A_163 = tpu.sem_alloc : memref<!tpu.dma_semaphore, #tpu.memory_space<semaphore_mem>>
      %dma_start3A_164 = arith.constant 0 : i32
      %dma_start3A_165 = tpu.memref_slice %arg6[%run_scoped3A_136, %dma_start3A_164] : memref<2x128xi32, #tpu.memory_space<vmem>> -> memref<1x128xi32, #tpu.memory_space<vmem>>
      %dma_start3A_166 = tpu.memref_squeeze %dma_start3A_165 : memref<1x128xi32, #tpu.memory_space<vmem>> -> memref<128xi32, #tpu.memory_space<vmem>>
      %dma_start3A_167 = arith.constant 0 : i32
      %dma_start3A_168 = tpu.memref_slice %arg10[%dma_start3A_167] : memref<8192xf32, #tpu.memory_space<vmem_shared>> -> memref<8192xf32, #tpu.memory_space<vmem_shared>>
      tpu.enqueue_indirect_dma source(%arg8 : memref<128xf32, #tpu.memory_space<vmem>>) target(%dma_start3A_168 : memref<8192xf32, #tpu.memory_space<vmem_shared>>) offsets(%dma_start3A_166 : memref<128xi32, #tpu.memory_space<vmem>>) semaphore(%run_scoped3A_163 : memref<!tpu.dma_semaphore, #tpu.memory_space<semaphore_mem>>) {add = true}
      %dma_wait3A_169 = arith.constant 0 : i32
      %dma_wait3A_170 = tpu.memref_slice %arg6[%run_scoped3A_136, %dma_wait3A_169] : memref<2x128xi32, #tpu.memory_space<vmem>> -> memref<1x128xi32, #tpu.memory_space<vmem>>
      %dma_wait3A_171 = tpu.memref_squeeze %dma_wait3A_170 : memref<1x128xi32, #tpu.memory_space<vmem>> -> memref<128xi32, #tpu.memory_space<vmem>>
      %dma_wait3A_172 = arith.constant 0 : i32
      %dma_wait3A_173 = tpu.memref_slice %arg10[%dma_wait3A_172] : memref<8192xf32, #tpu.memory_space<vmem_shared>> -> memref<8192xf32, #tpu.memory_space<vmem_shared>>
      tpu.wait_indirect_dma semaphore(%run_scoped3A_163 : memref<!tpu.dma_semaphore, #tpu.memory_space<semaphore_mem>>) src(%arg8 : memref<128xf32, #tpu.memory_space<vmem>>) dst(%dma_wait3A_173 : memref<8192xf32, #tpu.memory_space<vmem_shared>>)
      tpu.yield
    }) : () -> ()
    %barrier3A_137 = arith.constant 0 : index
    tpu.barrier barrier_id(%barrier3A_137)
    %eq3A = arith.constant 0 : i32
    %eq3A_138 = arith.cmpi eq, %arg1, %eq3A : i32
    %convert_element_type3A = arith.extui %eq3A_138 : i1 to i32
    %cond3A = arith.constant 0 : i32
    %cond3A_139 = arith.cmpi ne, %convert_element_type3A, %cond3A : i32
    scf.if %cond3A_139 {
      "tpu.region"() ({
        %run_scoped3A_163 = tpu.sem_alloc : memref<!tpu.dma_semaphore, #tpu.memory_space<semaphore_mem>>
        %dma_start3A_164 = arith.constant 0 : i32
        %dma_start3A_165 = tpu.memref_slice %arg5[%arg0, %dma_start3A_164] : memref<2x8192xf32, #tpu.memory_space<hbm>> -> memref<1x8192xf32, #tpu.memory_space<hbm>>
        %dma_start3A_166 = tpu.memref_squeeze %dma_start3A_165 : memref<1x8192xf32, #tpu.memory_space<hbm>> -> memref<8192xf32, #tpu.memory_space<hbm>>
        tpu.enqueue_dma source(%arg10 : memref<8192xf32, #tpu.memory_space<vmem_shared>>) target(%dma_start3A_166 : memref<8192xf32, #tpu.memory_space<hbm>>) target_semaphore(%run_scoped3A_163 : memref<!tpu.dma_semaphore, #tpu.memory_space<semaphore_mem>>)
        %dma_wait3A_167 = arith.constant 0 : i32
        %dma_wait3A_168 = tpu.memref_slice %arg5[%arg0, %dma_wait3A_167] : memref<2x8192xf32, #tpu.memory_space<hbm>> -> memref<1x8192xf32, #tpu.memory_space<hbm>>
        %dma_wait3A_169 = tpu.memref_squeeze %dma_wait3A_168 : memref<1x8192xf32, #tpu.memory_space<hbm>> -> memref<8192xf32, #tpu.memory_space<hbm>>
        tpu.wait_dma2 semaphore(%run_scoped3A_163 : memref<!tpu.dma_semaphore, #tpu.memory_space<semaphore_mem>>) src(%arg10 : memref<8192xf32, #tpu.memory_space<vmem_shared>>) dst(%dma_wait3A_169 : memref<8192xf32, #tpu.memory_space<hbm>>)
        tpu.yield
      }) : () -> ()
    } else {
    }
    %dma_wait3A = arith.constant 0 : i32
    %dma_wait3A_140 = arith.constant 0 : i32
    %dma_wait3A_141 = arith.constant 0 : i32
    %dma_wait3A_142 = arith.constant 0 : i32
    %dma_wait3A_143 = tpu.memref_slice %arg7[%dma_wait3A_140, %dma_wait3A_141, %dma_wait3A_142] : memref<2x128x256xf32, #tpu.memory_space<vmem>> -> memref<1x128x256xf32, #tpu.memory_space<vmem>>
    %dma_wait3A_144 = tpu.memref_squeeze %dma_wait3A_143 : memref<1x128x256xf32, #tpu.memory_space<vmem>> -> memref<128x256xf32, #tpu.memory_space<vmem>>
    %dma_wait3A_145 = arith.constant 0 : i32
    %dma_wait3A_146 = tpu.memref_slice %arg6[%dma_wait3A, %dma_wait3A_145] : memref<2x128xi32, #tpu.memory_space<vmem>> -> memref<1x128xi32, #tpu.memory_space<vmem>>
    %dma_wait3A_147 = tpu.memref_squeeze %dma_wait3A_146 : memref<1x128xi32, #tpu.memory_space<vmem>> -> memref<128xi32, #tpu.memory_space<vmem>>
    %dma_wait3A_148 = arith.constant 0 : i32
    %dma_wait3A_149 = arith.constant 0 : i32
    %dma_wait3A_150 = tpu.memref_slice %arg2[%dma_wait3A_148, %dma_wait3A_149] : memref<8192x256xf32, #tpu.memory_space<hbm>> -> memref<8192x256xf32, #tpu.memory_space<hbm>>
    tpu.wait_indirect_dma semaphore(%arg11 : memref<!tpu.dma_semaphore, #tpu.memory_space<semaphore_mem>>) src(%dma_wait3A_150 : memref<8192x256xf32, #tpu.memory_space<hbm>>) dst(%dma_wait3A_144 : memref<128x256xf32, #tpu.memory_space<vmem>>)
    %dma_wait3A_151 = arith.constant 1 : i32
    %dma_wait3A_152 = arith.constant 1 : i32
    %dma_wait3A_153 = arith.constant 0 : i32
    %dma_wait3A_154 = arith.constant 0 : i32
    %dma_wait3A_155 = tpu.memref_slice %arg7[%dma_wait3A_152, %dma_wait3A_153, %dma_wait3A_154] : memref<2x128x256xf32, #tpu.memory_space<vmem>> -> memref<1x128x256xf32, #tpu.memory_space<vmem>>
    %dma_wait3A_156 = tpu.memref_squeeze %dma_wait3A_155 : memref<1x128x256xf32, #tpu.memory_space<vmem>> -> memref<128x256xf32, #tpu.memory_space<vmem>>
    %dma_wait3A_157 = arith.constant 0 : i32
    %dma_wait3A_158 = tpu.memref_slice %arg6[%dma_wait3A_151, %dma_wait3A_157] : memref<2x128xi32, #tpu.memory_space<vmem>> -> memref<1x128xi32, #tpu.memory_space<vmem>>
    %dma_wait3A_159 = tpu.memref_squeeze %dma_wait3A_158 : memref<1x128xi32, #tpu.memory_space<vmem>> -> memref<128xi32, #tpu.memory_space<vmem>>
    %dma_wait3A_160 = arith.constant 0 : i32
    %dma_wait3A_161 = arith.constant 0 : i32
    %dma_wait3A_162 = tpu.memref_slice %arg2[%dma_wait3A_160, %dma_wait3A_161] : memref<8192x256xf32, #tpu.memory_space<hbm>> -> memref<8192x256xf32, #tpu.memory_space<hbm>>
    tpu.wait_indirect_dma semaphore(%arg11 : memref<!tpu.dma_semaphore, #tpu.memory_space<semaphore_mem>>) src(%dma_wait3A_162 : memref<8192x256xf32, #tpu.memory_space<hbm>>) dst(%dma_wait3A_156 : memref<128x256xf32, #tpu.memory_space<vmem>>)
    "tpu.region"() ({
      %run_scoped3A_163 = tpu.sem_alloc : memref<!tpu.dma_semaphore, #tpu.memory_space<semaphore_mem>>
      %dma_start3A_164 = arith.constant 0 : i32
      %dma_start3A_165 = arith.constant 0 : i32
      %dma_start3A_166 = tpu.memref_slice %arg4[%mul3A_2, %dma_start3A_164, %dma_start3A_165] : memref<64x128x256xf32, #tpu.memory_space<hbm>> -> memref<2x128x256xf32, #tpu.memory_space<hbm>>
      %dma_start3A_167 = arith.constant 0 : i32
      %dma_start3A_168 = arith.constant 0 : i32
      %dma_start3A_169 = tpu.memref_slice %arg4[%mul3A_2, %dma_start3A_167, %dma_start3A_168] : memref<64x128x256xf32, #tpu.memory_space<hbm>> -> memref<2x128x256xf32, #tpu.memory_space<hbm>>
      tpu.enqueue_dma source(%arg7 : memref<2x128x256xf32, #tpu.memory_space<vmem>>) target(%dma_start3A_169 : memref<2x128x256xf32, #tpu.memory_space<hbm>>) target_semaphore(%run_scoped3A_163 : memref<!tpu.dma_semaphore, #tpu.memory_space<semaphore_mem>>)
      %dma_wait3A_170 = arith.constant 0 : i32
      %dma_wait3A_171 = arith.constant 0 : i32
      %dma_wait3A_172 = tpu.memref_slice %arg4[%mul3A_2, %dma_wait3A_170, %dma_wait3A_171] : memref<64x128x256xf32, #tpu.memory_space<hbm>> -> memref<2x128x256xf32, #tpu.memory_space<hbm>>
      %dma_wait3A_173 = arith.constant 0 : i32
      %dma_wait3A_174 = arith.constant 0 : i32
      %dma_wait3A_175 = tpu.memref_slice %arg4[%mul3A_2, %dma_wait3A_173, %dma_wait3A_174] : memref<64x128x256xf32, #tpu.memory_space<hbm>> -> memref<2x128x256xf32, #tpu.memory_space<hbm>>
      tpu.wait_dma2 semaphore(%run_scoped3A_163 : memref<!tpu.dma_semaphore, #tpu.memory_space<semaphore_mem>>) src(%arg7 : memref<2x128x256xf32, #tpu.memory_space<vmem>>) dst(%dma_wait3A_175 : memref<2x128x256xf32, #tpu.memory_space<hbm>>)
      tpu.yield
    }) : () -> ()
    return
  }
}

module attributes {stable_mosaic.version = 14 : i64} {
  func.func @_argmin_body(%arg0: i32, %arg1: i32, %arg2: memref<1024x256xf32, #tpu.memory_space<vmem>>, %arg3: memref<1024x256xbf16, #tpu.memory_space<vmem>>, %arg4: memref<512x256xf32, #tpu.memory_space<vmem>>, %arg5: memref<512x256xbf16, #tpu.memory_space<vmem>>, %arg6: memref<1024xi32, #tpu.memory_space<vmem>>, %arg7: memref<1024x128xf32, #tpu.memory_space<vmem>>, %arg8: memref<1024x128xi32, #tpu.memory_space<vmem>>, %arg9: memref<1024x128xf32, #tpu.memory_space<vmem>>) attributes {dimension_semantics = [#tpu.dimension_semantics<arbitrary>, #tpu.dimension_semantics<arbitrary>], iteration_bounds = array<i64: 8, 16>, scalar_prefetch = 0 : i64, scratch_operands = 3 : i64, tpu.core_type = #tpu.core_type<tc>, window_params = [{transform_indices = @transform_0, window_bounds = array<i64: 1024, 256>}, {transform_indices = @transform_1, window_bounds = array<i64: 1024, 256>}, {transform_indices = @transform_2, window_bounds = array<i64: 512, 256>}, {transform_indices = @transform_3, window_bounds = array<i64: 512, 256>}, {transform_indices = @transform_4, window_bounds = array<i64: 1024>}]} {
    %broadcast_in_dim3A = arith.constant 1.000000e+00 : f32
    %broadcast_in_dim3A_0 = vector.broadcast %broadcast_in_dim3A : f32 to vector<8x256xf32>
    %eq3A = arith.constant 0 : i32
    %eq3A_1 = arith.cmpi eq, %arg1, %eq3A : i32
    %convert_element_type3A = arith.extui %eq3A_1 : i1 to i32
    %cond3A = arith.constant 0 : i32
    %cond3A_2 = arith.cmpi ne, %convert_element_type3A, %cond3A : i32
    scf.if %cond3A_2 {
      %broadcast_in_dim3A_107 = arith.constant 0x7F800000 : f32
      %broadcast_in_dim3A_108 = vector.broadcast %broadcast_in_dim3A_107 : f32 to vector<1024x128xf32>
      %swap3A_109 = arith.constant 0 : index
      %swap3A_110 = arith.constant 0 : index
      %swap3A_111 = vector.load %arg7[%swap3A_109, %swap3A_110] : memref<1024x128xf32, #tpu.memory_space<vmem>>, vector<1024x128xf32>
      tpu.vector_store %arg7[%swap3A_109, %swap3A_110], %broadcast_in_dim3A_108 {strides = array<i32>} : memref<1024x128xf32, #tpu.memory_space<vmem>>, vector<1024x128xf32>,
      %broadcast_in_dim3A_112 = arith.constant 0 : i32
      %broadcast_in_dim3A_113 = vector.broadcast %broadcast_in_dim3A_112 : i32 to vector<1024x128xi32>
      %swap3A_114 = arith.constant 0 : index
      %swap3A_115 = arith.constant 0 : index
      %swap3A_116 = vector.load %arg8[%swap3A_114, %swap3A_115] : memref<1024x128xi32, #tpu.memory_space<vmem>>, vector<1024x128xi32>
      tpu.vector_store %arg8[%swap3A_114, %swap3A_115], %broadcast_in_dim3A_113 {strides = array<i32>} : memref<1024x128xi32, #tpu.memory_space<vmem>>, vector<1024x128xi32>,
      %get3A_117 = arith.constant 0 : index
      %get3A_118 = arith.constant 0 : index
      %get3A_119 = vector.load %arg2[%get3A_117, %get3A_118] : memref<1024x256xf32, #tpu.memory_space<vmem>>, vector<1024x256xf32>
      %get3A_120 = arith.constant 0 : index
      %get3A_121 = arith.constant 0 : index
      %get3A_122 = vector.load %arg2[%get3A_120, %get3A_121] : memref<1024x256xf32, #tpu.memory_space<vmem>>, vector<1024x256xf32>
      %mul3A_123 = arith.mulf %get3A_119, %get3A_122 : vector<1024x256xf32>
      %dot_general3A_124 = arith.constant dense<0.000000e+00> : vector<1024x8xf32>
      %dot_general3A_125 = tpu.matmul %mul3A_123, %broadcast_in_dim3A_0, %dot_general3A_124 {dimension_numbers = #tpu.dot_dimension_numbers<[1], [1], [0], [0], [0, 0, 1, 0], [], []>, transpose_lhs_hint = false} : vector<1024x256xf32>, vector<8x256xf32>, vector<1024x8xf32> -> vector<1024x8xf32>
      %slice3A_126 = vector.extract_strided_slice %dot_general3A_125 {offsets = [0, 0], sizes = [1024, 1], strides = [1, 1]} : vector<1024x8xf32> to vector<1024x1xf32>
      %broadcast_in_dim3A_127 = vector.shape_cast %slice3A_126 : vector<1024x1xf32> to vector<1024x1xf32>
      %broadcast_in_dim3A_128 = vector.broadcast %broadcast_in_dim3A_127 : vector<1024x1xf32> to vector<1024x128xf32>
      %swap3A_129 = arith.constant 0 : index
      %swap3A_130 = arith.constant 0 : index
      %swap3A_131 = vector.load %arg9[%swap3A_129, %swap3A_130] : memref<1024x128xf32, #tpu.memory_space<vmem>>, vector<1024x128xf32>
      tpu.vector_store %arg9[%swap3A_129, %swap3A_130], %broadcast_in_dim3A_128 {strides = array<i32>} : memref<1024x128xf32, #tpu.memory_space<vmem>>, vector<1024x128xf32>,
    } else {
    }
    %get3A = arith.constant 0 : index
    %get3A_3 = arith.constant 0 : index
    %get3A_4 = vector.load %arg4[%get3A, %get3A_3] : memref<512x256xf32, #tpu.memory_space<vmem>>, vector<512x256xf32>
    %mul3A = arith.mulf %get3A_4, %get3A_4 : vector<512x256xf32>
    %dot_general3A = arith.constant dense<0.000000e+00> : vector<8x512xf32>
    %dot_general3A_5 = tpu.matmul %broadcast_in_dim3A_0, %mul3A, %dot_general3A {dimension_numbers = #tpu.dot_dimension_numbers<[1], [1], [0], [0], [0, 0, 1, 0], [], []>, transpose_lhs_hint = false} : vector<8x256xf32>, vector<512x256xf32>, vector<8x512xf32> -> vector<8x512xf32>
    %get3A_6 = arith.constant 0 : index
    %get3A_7 = arith.constant 0 : index
    %get3A_8 = vector.load %arg3[%get3A_6, %get3A_7] : memref<1024x256xbf16, #tpu.memory_space<vmem>>, vector<1024x256xbf16>
    %get3A_9 = arith.constant 0 : index
    %get3A_10 = arith.constant 0 : index
    %get3A_11 = vector.load %arg9[%get3A_9, %get3A_10] : memref<1024x128xf32, #tpu.memory_space<vmem>>, vector<1024x128xf32>
    %get3A_12 = arith.constant 0 : index
    %get3A_13 = arith.constant 0 : index
    %get3A_14 = vector.load %arg7[%get3A_12, %get3A_13] : memref<1024x128xf32, #tpu.memory_space<vmem>>, vector<1024x128xf32>
    %get3A_15 = arith.constant 0 : index
    %get3A_16 = arith.constant 0 : index
    %get3A_17 = vector.load %arg8[%get3A_15, %get3A_16] : memref<1024x128xi32, #tpu.memory_space<vmem>>, vector<1024x128xi32>
    %iota3A = tpu.iota {dimensions = array<i32: 1>} : vector<1024x128xi32>
    %get3A_18 = arith.constant 0 : index
    %get3A_19 = arith.constant 0 : index
    %get3A_20 = vector.load %arg5[%get3A_18, %get3A_19] : memref<512x256xbf16, #tpu.memory_space<vmem>>, vector<128x256xbf16>
    %dot_general3A_21 = arith.constant dense<0.000000e+00> : vector<1024x128xf32>
    %dot_general3A_22 = tpu.matmul %get3A_8, %get3A_20, %dot_general3A_21 {dimension_numbers = #tpu.dot_dimension_numbers<[1], [1], [0], [0], [0, 0, 1, 0], [], []>, transpose_lhs_hint = false} : vector<1024x256xbf16>, vector<128x256xbf16>, vector<1024x128xf32> -> vector<1024x128xf32>
    %slice3A = vector.extract_strided_slice %dot_general3A_5 {offsets = [0, 0], sizes = [1, 128], strides = [1, 1]} : vector<8x512xf32> to vector<1x128xf32>
    %add3A = vector.broadcast %slice3A : vector<1x128xf32> to vector<1024x128xf32>
    %add3A_23 = arith.addf %add3A, %get3A_11 : vector<1024x128xf32>
    %mul3A_24 = arith.constant 2.000000e+00 : f32
    %mul3A_25 = vector.broadcast %mul3A_24 : f32 to vector<1024x128xf32>
    %mul3A_26 = arith.mulf %mul3A_25, %dot_general3A_22 : vector<1024x128xf32>
    %sub3A = arith.subf %add3A_23, %mul3A_26 : vector<1024x128xf32>
    %mul3A_27 = arith.constant 512 : i32
    %mul3A_28 = arith.muli %arg1, %mul3A_27 : i32
    %add3A_29 = arith.constant 0 : i32
    %add3A_30 = arith.addi %mul3A_28, %add3A_29 : i32
    %add3A_31 = vector.broadcast %add3A_30 : i32 to vector<1024x128xi32>
    %add3A_32 = arith.addi %iota3A, %add3A_31 : vector<1024x128xi32>
    %lt3A = arith.cmpf olt, %sub3A, %get3A_14 : vector<1024x128xf32>
    %select_n3A = arith.select %lt3A, %sub3A, %get3A_14 : vector<1024x128xi1>, vector<1024x128xf32>
    %select_n3A_33 = arith.select %lt3A, %add3A_32, %get3A_17 : vector<1024x128xi1>, vector<1024x128xi32>
    %get3A_34 = arith.constant 128 : index
    %get3A_35 = arith.constant 0 : index
    %get3A_36 = vector.load %arg5[%get3A_34, %get3A_35] : memref<512x256xbf16, #tpu.memory_space<vmem>>, vector<128x256xbf16>
    %dot_general3A_37 = arith.constant dense<0.000000e+00> : vector<1024x128xf32>
    %dot_general3A_38 = tpu.matmul %get3A_8, %get3A_36, %dot_general3A_37 {dimension_numbers = #tpu.dot_dimension_numbers<[1], [1], [0], [0], [0, 0, 1, 0], [], []>, transpose_lhs_hint = false} : vector<1024x256xbf16>, vector<128x256xbf16>, vector<1024x128xf32> -> vector<1024x128xf32>
    %slice3A_39 = vector.extract_strided_slice %dot_general3A_5 {offsets = [0, 128], sizes = [1, 128], strides = [1, 1]} : vector<8x512xf32> to vector<1x128xf32>
    %add3A_40 = vector.broadcast %slice3A_39 : vector<1x128xf32> to vector<1024x128xf32>
    %add3A_41 = arith.addf %add3A_40, %get3A_11 : vector<1024x128xf32>
    %mul3A_42 = arith.constant 2.000000e+00 : f32
    %mul3A_43 = vector.broadcast %mul3A_42 : f32 to vector<1024x128xf32>
    %mul3A_44 = arith.mulf %mul3A_43, %dot_general3A_38 : vector<1024x128xf32>
    %sub3A_45 = arith.subf %add3A_41, %mul3A_44 : vector<1024x128xf32>
    %mul3A_46 = arith.constant 512 : i32
    %mul3A_47 = arith.muli %arg1, %mul3A_46 : i32
    %add3A_48 = arith.constant 128 : i32
    %add3A_49 = arith.addi %mul3A_47, %add3A_48 : i32
    %add3A_50 = vector.broadcast %add3A_49 : i32 to vector<1024x128xi32>
    %add3A_51 = arith.addi %iota3A, %add3A_50 : vector<1024x128xi32>
    %lt3A_52 = arith.cmpf olt, %sub3A_45, %select_n3A : vector<1024x128xf32>
    %select_n3A_53 = arith.select %lt3A_52, %sub3A_45, %select_n3A : vector<1024x128xi1>, vector<1024x128xf32>
    %select_n3A_54 = arith.select %lt3A_52, %add3A_51, %select_n3A_33 : vector<1024x128xi1>, vector<1024x128xi32>
    %get3A_55 = arith.constant 256 : index
    %get3A_56 = arith.constant 0 : index
    %get3A_57 = vector.load %arg5[%get3A_55, %get3A_56] : memref<512x256xbf16, #tpu.memory_space<vmem>>, vector<128x256xbf16>
    %dot_general3A_58 = arith.constant dense<0.000000e+00> : vector<1024x128xf32>
    %dot_general3A_59 = tpu.matmul %get3A_8, %get3A_57, %dot_general3A_58 {dimension_numbers = #tpu.dot_dimension_numbers<[1], [1], [0], [0], [0, 0, 1, 0], [], []>, transpose_lhs_hint = false} : vector<1024x256xbf16>, vector<128x256xbf16>, vector<1024x128xf32> -> vector<1024x128xf32>
    %slice3A_60 = vector.extract_strided_slice %dot_general3A_5 {offsets = [0, 256], sizes = [1, 128], strides = [1, 1]} : vector<8x512xf32> to vector<1x128xf32>
    %add3A_61 = vector.broadcast %slice3A_60 : vector<1x128xf32> to vector<1024x128xf32>
    %add3A_62 = arith.addf %add3A_61, %get3A_11 : vector<1024x128xf32>
    %mul3A_63 = arith.constant 2.000000e+00 : f32
    %mul3A_64 = vector.broadcast %mul3A_63 : f32 to vector<1024x128xf32>
    %mul3A_65 = arith.mulf %mul3A_64, %dot_general3A_59 : vector<1024x128xf32>
    %sub3A_66 = arith.subf %add3A_62, %mul3A_65 : vector<1024x128xf32>
    %mul3A_67 = arith.constant 512 : i32
    %mul3A_68 = arith.muli %arg1, %mul3A_67 : i32
    %add3A_69 = arith.constant 256 : i32
    %add3A_70 = arith.addi %mul3A_68, %add3A_69 : i32
    %add3A_71 = vector.broadcast %add3A_70 : i32 to vector<1024x128xi32>
    %add3A_72 = arith.addi %iota3A, %add3A_71 : vector<1024x128xi32>
    %lt3A_73 = arith.cmpf olt, %sub3A_66, %select_n3A_53 : vector<1024x128xf32>
    %select_n3A_74 = arith.select %lt3A_73, %sub3A_66, %select_n3A_53 : vector<1024x128xi1>, vector<1024x128xf32>
    %select_n3A_75 = arith.select %lt3A_73, %add3A_72, %select_n3A_54 : vector<1024x128xi1>, vector<1024x128xi32>
    %get3A_76 = arith.constant 384 : index
    %get3A_77 = arith.constant 0 : index
    %get3A_78 = vector.load %arg5[%get3A_76, %get3A_77] : memref<512x256xbf16, #tpu.memory_space<vmem>>, vector<128x256xbf16>
    %dot_general3A_79 = arith.constant dense<0.000000e+00> : vector<1024x128xf32>
    %dot_general3A_80 = tpu.matmul %get3A_8, %get3A_78, %dot_general3A_79 {dimension_numbers = #tpu.dot_dimension_numbers<[1], [1], [0], [0], [0, 0, 1, 0], [], []>, transpose_lhs_hint = false} : vector<1024x256xbf16>, vector<128x256xbf16>, vector<1024x128xf32> -> vector<1024x128xf32>
    %slice3A_81 = vector.extract_strided_slice %dot_general3A_5 {offsets = [0, 384], sizes = [1, 128], strides = [1, 1]} : vector<8x512xf32> to vector<1x128xf32>
    %add3A_82 = vector.broadcast %slice3A_81 : vector<1x128xf32> to vector<1024x128xf32>
    %add3A_83 = arith.addf %add3A_82, %get3A_11 : vector<1024x128xf32>
    %mul3A_84 = arith.constant 2.000000e+00 : f32
    %mul3A_85 = vector.broadcast %mul3A_84 : f32 to vector<1024x128xf32>
    %mul3A_86 = arith.mulf %mul3A_85, %dot_general3A_80 : vector<1024x128xf32>
    %sub3A_87 = arith.subf %add3A_83, %mul3A_86 : vector<1024x128xf32>
    %mul3A_88 = arith.constant 512 : i32
    %mul3A_89 = arith.muli %arg1, %mul3A_88 : i32
    %add3A_90 = arith.constant 384 : i32
    %add3A_91 = arith.addi %mul3A_89, %add3A_90 : i32
    %add3A_92 = vector.broadcast %add3A_91 : i32 to vector<1024x128xi32>
    %add3A_93 = arith.addi %iota3A, %add3A_92 : vector<1024x128xi32>
    %lt3A_94 = arith.cmpf olt, %sub3A_87, %select_n3A_74 : vector<1024x128xf32>
    %select_n3A_95 = arith.select %lt3A_94, %sub3A_87, %select_n3A_74 : vector<1024x128xi1>, vector<1024x128xf32>
    %select_n3A_96 = arith.select %lt3A_94, %add3A_93, %select_n3A_75 : vector<1024x128xi1>, vector<1024x128xi32>
    %swap3A = arith.constant 0 : index
    %swap3A_97 = arith.constant 0 : index
    %swap3A_98 = vector.load %arg7[%swap3A, %swap3A_97] : memref<1024x128xf32, #tpu.memory_space<vmem>>, vector<1024x128xf32>
    tpu.vector_store %arg7[%swap3A, %swap3A_97], %select_n3A_95 {strides = array<i32>} : memref<1024x128xf32, #tpu.memory_space<vmem>>, vector<1024x128xf32>,
    %swap3A_99 = arith.constant 0 : index
    %swap3A_100 = arith.constant 0 : index
    %swap3A_101 = vector.load %arg8[%swap3A_99, %swap3A_100] : memref<1024x128xi32, #tpu.memory_space<vmem>>, vector<1024x128xi32>
    tpu.vector_store %arg8[%swap3A_99, %swap3A_100], %select_n3A_96 {strides = array<i32>} : memref<1024x128xi32, #tpu.memory_space<vmem>>, vector<1024x128xi32>,
    %eq3A_102 = arith.constant 15 : i32
    %eq3A_103 = arith.cmpi eq, %arg1, %eq3A_102 : i32
    %convert_element_type3A_104 = arith.extui %eq3A_103 : i1 to i32
    %cond3A_105 = arith.constant 0 : i32
    %cond3A_106 = arith.cmpi ne, %convert_element_type3A_104, %cond3A_105 : i32
    scf.if %cond3A_106 {
      %roll3A = arith.constant 1 : i32
      %roll3A_107 = tpu.dynamic_rotate %select_n3A_95 by %roll3A dim 1 : vector<1024x128xf32>, i32 -> vector<1024x128xf32>
      %roll3A_108 = arith.constant 1 : i32
      %roll3A_109 = tpu.dynamic_rotate %select_n3A_96 by %roll3A_108 dim 1 : vector<1024x128xi32>, i32 -> vector<1024x128xi32>
      %lt3A_110 = arith.cmpf olt, %roll3A_107, %select_n3A_95 : vector<1024x128xf32>
      %eq3A_111 = arith.cmpf oeq, %roll3A_107, %select_n3A_95 : vector<1024x128xf32>
      %lt3A_112 = arith.cmpi slt, %roll3A_109, %select_n3A_96 : vector<1024x128xi32>
      %and3A = arith.andi %eq3A_111, %lt3A_112 : vector<1024x128xi1>
      %or3A = arith.ori %lt3A_110, %and3A : vector<1024x128xi1>
      %select_n3A_113 = arith.select %or3A, %roll3A_107, %select_n3A_95 : vector<1024x128xi1>, vector<1024x128xf32>
      %select_n3A_114 = arith.select %or3A, %roll3A_109, %select_n3A_96 : vector<1024x128xi1>, vector<1024x128xi32>
      %roll3A_115 = arith.constant 2 : i32
      %roll3A_116 = tpu.dynamic_rotate %select_n3A_113 by %roll3A_115 dim 1 : vector<1024x128xf32>, i32 -> vector<1024x128xf32>
      %roll3A_117 = arith.constant 2 : i32
      %roll3A_118 = tpu.dynamic_rotate %select_n3A_114 by %roll3A_117 dim 1 : vector<1024x128xi32>, i32 -> vector<1024x128xi32>
      %lt3A_119 = arith.cmpf olt, %roll3A_116, %select_n3A_113 : vector<1024x128xf32>
      %eq3A_120 = arith.cmpf oeq, %roll3A_116, %select_n3A_113 : vector<1024x128xf32>
      %lt3A_121 = arith.cmpi slt, %roll3A_118, %select_n3A_114 : vector<1024x128xi32>
      %and3A_122 = arith.andi %eq3A_120, %lt3A_121 : vector<1024x128xi1>
      %or3A_123 = arith.ori %lt3A_119, %and3A_122 : vector<1024x128xi1>
      %select_n3A_124 = arith.select %or3A_123, %roll3A_116, %select_n3A_113 : vector<1024x128xi1>, vector<1024x128xf32>
      %select_n3A_125 = arith.select %or3A_123, %roll3A_118, %select_n3A_114 : vector<1024x128xi1>, vector<1024x128xi32>
      %roll3A_126 = arith.constant 4 : i32
      %roll3A_127 = tpu.dynamic_rotate %select_n3A_124 by %roll3A_126 dim 1 : vector<1024x128xf32>, i32 -> vector<1024x128xf32>
      %roll3A_128 = arith.constant 4 : i32
      %roll3A_129 = tpu.dynamic_rotate %select_n3A_125 by %roll3A_128 dim 1 : vector<1024x128xi32>, i32 -> vector<1024x128xi32>
      %lt3A_130 = arith.cmpf olt, %roll3A_127, %select_n3A_124 : vector<1024x128xf32>
      %eq3A_131 = arith.cmpf oeq, %roll3A_127, %select_n3A_124 : vector<1024x128xf32>
      %lt3A_132 = arith.cmpi slt, %roll3A_129, %select_n3A_125 : vector<1024x128xi32>
      %and3A_133 = arith.andi %eq3A_131, %lt3A_132 : vector<1024x128xi1>
      %or3A_134 = arith.ori %lt3A_130, %and3A_133 : vector<1024x128xi1>
      %select_n3A_135 = arith.select %or3A_134, %roll3A_127, %select_n3A_124 : vector<1024x128xi1>, vector<1024x128xf32>
      %select_n3A_136 = arith.select %or3A_134, %roll3A_129, %select_n3A_125 : vector<1024x128xi1>, vector<1024x128xi32>
      %roll3A_137 = arith.constant 8 : i32
      %roll3A_138 = tpu.dynamic_rotate %select_n3A_135 by %roll3A_137 dim 1 : vector<1024x128xf32>, i32 -> vector<1024x128xf32>
      %roll3A_139 = arith.constant 8 : i32
      %roll3A_140 = tpu.dynamic_rotate %select_n3A_136 by %roll3A_139 dim 1 : vector<1024x128xi32>, i32 -> vector<1024x128xi32>
      %lt3A_141 = arith.cmpf olt, %roll3A_138, %select_n3A_135 : vector<1024x128xf32>
      %eq3A_142 = arith.cmpf oeq, %roll3A_138, %select_n3A_135 : vector<1024x128xf32>
      %lt3A_143 = arith.cmpi slt, %roll3A_140, %select_n3A_136 : vector<1024x128xi32>
      %and3A_144 = arith.andi %eq3A_142, %lt3A_143 : vector<1024x128xi1>
      %or3A_145 = arith.ori %lt3A_141, %and3A_144 : vector<1024x128xi1>
      %select_n3A_146 = arith.select %or3A_145, %roll3A_138, %select_n3A_135 : vector<1024x128xi1>, vector<1024x128xf32>
      %select_n3A_147 = arith.select %or3A_145, %roll3A_140, %select_n3A_136 : vector<1024x128xi1>, vector<1024x128xi32>
      %roll3A_148 = arith.constant 16 : i32
      %roll3A_149 = tpu.dynamic_rotate %select_n3A_146 by %roll3A_148 dim 1 : vector<1024x128xf32>, i32 -> vector<1024x128xf32>
      %roll3A_150 = arith.constant 16 : i32
      %roll3A_151 = tpu.dynamic_rotate %select_n3A_147 by %roll3A_150 dim 1 : vector<1024x128xi32>, i32 -> vector<1024x128xi32>
      %lt3A_152 = arith.cmpf olt, %roll3A_149, %select_n3A_146 : vector<1024x128xf32>
      %eq3A_153 = arith.cmpf oeq, %roll3A_149, %select_n3A_146 : vector<1024x128xf32>
      %lt3A_154 = arith.cmpi slt, %roll3A_151, %select_n3A_147 : vector<1024x128xi32>
      %and3A_155 = arith.andi %eq3A_153, %lt3A_154 : vector<1024x128xi1>
      %or3A_156 = arith.ori %lt3A_152, %and3A_155 : vector<1024x128xi1>
      %select_n3A_157 = arith.select %or3A_156, %roll3A_149, %select_n3A_146 : vector<1024x128xi1>, vector<1024x128xf32>
      %select_n3A_158 = arith.select %or3A_156, %roll3A_151, %select_n3A_147 : vector<1024x128xi1>, vector<1024x128xi32>
      %roll3A_159 = arith.constant 32 : i32
      %roll3A_160 = tpu.dynamic_rotate %select_n3A_157 by %roll3A_159 dim 1 : vector<1024x128xf32>, i32 -> vector<1024x128xf32>
      %roll3A_161 = arith.constant 32 : i32
      %roll3A_162 = tpu.dynamic_rotate %select_n3A_158 by %roll3A_161 dim 1 : vector<1024x128xi32>, i32 -> vector<1024x128xi32>
      %lt3A_163 = arith.cmpf olt, %roll3A_160, %select_n3A_157 : vector<1024x128xf32>
      %eq3A_164 = arith.cmpf oeq, %roll3A_160, %select_n3A_157 : vector<1024x128xf32>
      %lt3A_165 = arith.cmpi slt, %roll3A_162, %select_n3A_158 : vector<1024x128xi32>
      %and3A_166 = arith.andi %eq3A_164, %lt3A_165 : vector<1024x128xi1>
      %or3A_167 = arith.ori %lt3A_163, %and3A_166 : vector<1024x128xi1>
      %select_n3A_168 = arith.select %or3A_167, %roll3A_160, %select_n3A_157 : vector<1024x128xi1>, vector<1024x128xf32>
      %select_n3A_169 = arith.select %or3A_167, %roll3A_162, %select_n3A_158 : vector<1024x128xi1>, vector<1024x128xi32>
      %roll3A_170 = arith.constant 64 : i32
      %roll3A_171 = tpu.dynamic_rotate %select_n3A_168 by %roll3A_170 dim 1 : vector<1024x128xf32>, i32 -> vector<1024x128xf32>
      %roll3A_172 = arith.constant 64 : i32
      %roll3A_173 = tpu.dynamic_rotate %select_n3A_169 by %roll3A_172 dim 1 : vector<1024x128xi32>, i32 -> vector<1024x128xi32>
      %lt3A_174 = arith.cmpf olt, %roll3A_171, %select_n3A_168 : vector<1024x128xf32>
      %eq3A_175 = arith.cmpf oeq, %roll3A_171, %select_n3A_168 : vector<1024x128xf32>
      %lt3A_176 = arith.cmpi slt, %roll3A_173, %select_n3A_169 : vector<1024x128xi32>
      %and3A_177 = arith.andi %eq3A_175, %lt3A_176 : vector<1024x128xi1>
      %or3A_178 = arith.ori %lt3A_174, %and3A_177 : vector<1024x128xi1>
      %select_n3A_179 = arith.select %or3A_178, %roll3A_173, %select_n3A_169 : vector<1024x128xi1>, vector<1024x128xi32>
      %slice3A_180 = vector.extract_strided_slice %select_n3A_179 {offsets = [0, 0], sizes = [1024, 1], strides = [1, 1]} : vector<1024x128xi32> to vector<1024x1xi32>
      %squeeze3A = vector.shape_cast %slice3A_180 : vector<1024x1xi32> to vector<1024xi32>
      %swap3A_181 = arith.constant 0 : index
      %swap3A_182 = vector.load %arg6[%swap3A_181] : memref<1024xi32, #tpu.memory_space<vmem>>, vector<1024xi32>
      tpu.vector_store %arg6[%swap3A_181], %squeeze3A {strides = array<i32>} : memref<1024xi32, #tpu.memory_space<vmem>>, vector<1024xi32>,
    } else {
    }
    return
  }
  func.func @transform_0(%arg0: i32, %arg1: i32) -> (i32, i32) {
    %c0_i32 = arith.constant 0 : i32
    %c0_i32_0 = arith.constant 0 : i32
    return %arg0, %c0_i32 : i32, i32
  }
  func.func @transform_1(%arg0: i32, %arg1: i32) -> (i32, i32) {
    %c0_i32 = arith.constant 0 : i32
    %c0_i32_0 = arith.constant 0 : i32
    return %arg0, %c0_i32 : i32, i32
  }
  func.func @transform_2(%arg0: i32, %arg1: i32) -> (i32, i32) {
    %c0_i32 = arith.constant 0 : i32
    %c0_i32_0 = arith.constant 0 : i32
    return %arg1, %c0_i32 : i32, i32
  }
  func.func @transform_3(%arg0: i32, %arg1: i32) -> (i32, i32) {
    %c0_i32 = arith.constant 0 : i32
    %c0_i32_0 = arith.constant 0 : i32
    return %arg1, %c0_i32 : i32, i32
  }
  func.func @transform_4(%arg0: i32, %arg1: i32) -> i32 {
    %c0_i32 = arith.constant 0 : i32
    return %arg0 : i32
  }
}

module attributes {stable_mosaic.version = 14 : i64} {
  func.func @_finish_body(%arg0: i32, %arg1: memref<1024x256xf32, #tpu.memory_space<vmem>>, %arg2: memref<1024x256xf32, #tpu.memory_space<vmem>>, %arg3: memref<2x8192xf32, #tpu.memory_space<vmem>>, %arg4: memref<1024x256xf32, #tpu.memory_space<vmem>>, %arg5: memref<1x1xf32, #tpu.memory_space<smem>>, %arg6: memref<1x1xf32, #tpu.memory_space<smem>>, %arg7: memref<1x1xf32, #tpu.memory_space<smem>>) attributes {dimension_semantics = [#tpu.dimension_semantics<arbitrary>], iteration_bounds = array<i64: 8>, scalar_prefetch = 0 : i64, scratch_operands = 1 : i64, tpu.core_type = #tpu.core_type<tc>, window_params = [{transform_indices = @transform_0, window_bounds = array<i64: 1024, 256>}, {transform_indices = @transform_1, window_bounds = array<i64: 1024, 256>}, {pipeline_mode = #tpu.pipeline_mode<synchronous>, transform_indices = @transform_2, window_bounds = array<i64: 2, 8192>}, {transform_indices = @transform_3, window_bounds = array<i64: 1024, 256>}, {transform_indices = @transform_4, window_bounds = array<i64: 1, 1>}, {transform_indices = @transform_5, window_bounds = array<i64: 1, 1>}]} {
    %eq3A = arith.constant 0 : i32
    %eq3A_0 = arith.cmpi eq, %arg0, %eq3A : i32
    %convert_element_type3A = arith.extui %eq3A_0 : i1 to i32
    %cond3A = arith.constant 0 : i32
    %cond3A_1 = arith.cmpi ne, %convert_element_type3A, %cond3A : i32
    scf.if %cond3A_1 {
      %swap3A_25 = arith.constant 0.000000e+00 : f32
      %swap3A_26 = arith.constant 0 : index
      %swap3A_27 = arith.constant 0 : index
      %swap3A_28 = memref.load %arg7[%swap3A_26, %swap3A_27] : memref<1x1xf32, #tpu.memory_space<smem>>
      memref.store %swap3A_25, %arg7[%swap3A_26, %swap3A_27] : memref<1x1xf32, #tpu.memory_space<smem>>
    } else {
    }
    %get3A = arith.constant 0 : index
    %get3A_2 = arith.constant 0 : index
    %get3A_3 = vector.load %arg1[%get3A, %get3A_2] : memref<1024x256xf32, #tpu.memory_space<vmem>>, vector<1024x256xf32>
    %get3A_4 = arith.constant 0 : index
    %get3A_5 = arith.constant 0 : index
    %get3A_6 = vector.load %arg2[%get3A_4, %get3A_5] : memref<1024x256xf32, #tpu.memory_space<vmem>>, vector<1024x256xf32>
    %sub3A = arith.subf %get3A_6, %get3A_3 : vector<1024x256xf32>
    %add3A = arith.addf %get3A_3, %sub3A : vector<1024x256xf32>
    %swap3A = arith.constant 0 : index
    %swap3A_7 = arith.constant 0 : index
    %swap3A_8 = vector.load %arg4[%swap3A, %swap3A_7] : memref<1024x256xf32, #tpu.memory_space<vmem>>, vector<1024x256xf32>
    tpu.vector_store %arg4[%swap3A, %swap3A_7], %add3A {strides = array<i32>} : memref<1024x256xf32, #tpu.memory_space<vmem>>, vector<1024x256xf32>,
    %get3A_9 = arith.constant 0 : index
    %get3A_10 = arith.constant 0 : index
    %get3A_11 = memref.load %arg7[%get3A_9, %get3A_10] : memref<1x1xf32, #tpu.memory_space<smem>>
    %mul3A = arith.mulf %sub3A, %sub3A : vector<1024x256xf32>
    %reduce_sum3A = vector.shape_cast %mul3A : vector<1024x256xf32> to vector<1x1024x256xf32>
    %reduce_sum3A_12 = arith.constant dense<0.000000e+00> : vector<1xf32>
    %reduce_sum3A_13 = vector.multi_reduction <add>, %reduce_sum3A, %reduce_sum3A_12 [1, 2] : vector<1x1024x256xf32> to vector<1xf32>
    %reduce_sum3A_14 = vector.shape_cast %reduce_sum3A_13 : vector<1xf32> to vector<1x1x1xf32>
    %reduce_sum3A_15 = vector.extract %reduce_sum3A_14[0, 0, 0] : f32 from vector<1x1x1xf32>
    %add3A_16 = arith.addf %get3A_11, %reduce_sum3A_15 : f32
    %swap3A_17 = arith.constant 0 : index
    %swap3A_18 = arith.constant 0 : index
    %swap3A_19 = memref.load %arg7[%swap3A_17, %swap3A_18] : memref<1x1xf32, #tpu.memory_space<smem>>
    memref.store %add3A_16, %arg7[%swap3A_17, %swap3A_18] : memref<1x1xf32, #tpu.memory_space<smem>>
    %eq3A_20 = arith.constant 7 : i32
    %eq3A_21 = arith.cmpi eq, %arg0, %eq3A_20 : i32
    %convert_element_type3A_22 = arith.extui %eq3A_21 : i1 to i32
    %cond3A_23 = arith.constant 0 : i32
    %cond3A_24 = arith.cmpi ne, %convert_element_type3A_22, %cond3A_23 : i32
    scf.if %cond3A_24 {
      %get3A_25 = arith.constant 0 : index
      %get3A_26 = arith.constant 0 : index
      %get3A_27 = memref.load %arg7[%get3A_25, %get3A_26] : memref<1x1xf32, #tpu.memory_space<smem>>
      %div3A = arith.constant 0x4A000000 : f32
      %div3A_28 = arith.divf %get3A_27, %div3A : f32
      %mul3A_29 = arith.constant 2.500000e-01 : f32
      %mul3A_30 = arith.mulf %mul3A_29, %div3A_28 : f32
      %swap3A_31 = arith.constant 0 : index
      %swap3A_32 = arith.constant 0 : index
      %swap3A_33 = memref.load %arg5[%swap3A_31, %swap3A_32] : memref<1x1xf32, #tpu.memory_space<smem>>
      memref.store %mul3A_30, %arg5[%swap3A_31, %swap3A_32] : memref<1x1xf32, #tpu.memory_space<smem>>
      %get3A_34 = arith.constant 0 : index
      %get3A_35 = arith.constant 0 : index
      %get3A_36 = vector.load %arg3[%get3A_34, %get3A_35] : memref<2x8192xf32, #tpu.memory_space<vmem>>, vector<1x8192xf32>
      %get3A_37 = arith.constant 1 : index
      %get3A_38 = arith.constant 0 : index
      %get3A_39 = vector.load %arg3[%get3A_37, %get3A_38] : memref<2x8192xf32, #tpu.memory_space<vmem>>, vector<1x8192xf32>
      %add3A_40 = arith.addf %get3A_36, %get3A_39 : vector<1x8192xf32>
      %mul3A_41 = arith.constant 1.22070313E-4 : f32
      %mul3A_42 = vector.broadcast %mul3A_41 : f32 to vector<1x8192xf32>
      %mul3A_43 = arith.mulf %add3A_40, %mul3A_42 : vector<1x8192xf32>
      %add3A_44 = arith.constant 1.000000e-10 : f32
      %add3A_45 = vector.broadcast %add3A_44 : f32 to vector<1x8192xf32>
      %add3A_46 = arith.addf %mul3A_43, %add3A_45 : vector<1x8192xf32>
      %log3A = math.log %add3A_46 : vector<1x8192xf32>
      %mul3A_47 = arith.mulf %mul3A_43, %log3A : vector<1x8192xf32>
      %reduce_sum3A_48 = vector.shape_cast %mul3A_47 : vector<1x8192xf32> to vector<1x1x8192xf32>
      %reduce_sum3A_49 = arith.constant dense<0.000000e+00> : vector<1xf32>
      %reduce_sum3A_50 = vector.multi_reduction <add>, %reduce_sum3A_48, %reduce_sum3A_49 [1, 2] : vector<1x1x8192xf32> to vector<1xf32>
      %reduce_sum3A_51 = vector.shape_cast %reduce_sum3A_50 : vector<1xf32> to vector<1x1x1xf32>
      %reduce_sum3A_52 = vector.extract %reduce_sum3A_51[0, 0, 0] : f32 from vector<1x1x1xf32>
      %mul3A_53 = arith.constant -1.000000e+00 : f32
      %mul3A_54 = arith.mulf %mul3A_53, %reduce_sum3A_52 : f32
      %exp3A = math.exp %mul3A_54 : f32
      %swap3A_55 = arith.constant 0 : index
      %swap3A_56 = arith.constant 0 : index
      %swap3A_57 = memref.load %arg6[%swap3A_55, %swap3A_56] : memref<1x1xf32, #tpu.memory_space<smem>>
      memref.store %exp3A, %arg6[%swap3A_55, %swap3A_56] : memref<1x1xf32, #tpu.memory_space<smem>>
    } else {
    }
    return
  }
  func.func @transform_0(%arg0: i32) -> (i32, i32) {
    %c0_i32 = arith.constant 0 : i32
    %c0_i32_0 = arith.constant 0 : i32
    return %arg0, %c0_i32 : i32, i32
  }
  func.func @transform_1(%arg0: i32) -> (i32, i32) {
    %c0_i32 = arith.constant 0 : i32
    %c0_i32_0 = arith.constant 0 : i32
    return %arg0, %c0_i32 : i32, i32
  }
  func.func @transform_2(%arg0: i32) -> (i32, i32) {
    %c0_i32 = arith.constant 0 : i32
    %c0_i32_0 = arith.constant 0 : i32
    %c0_i32_1 = arith.constant 0 : i32
    return %c0_i32, %c0_i32_0 : i32, i32
  }
  func.func @transform_3(%arg0: i32) -> (i32, i32) {
    %c0_i32 = arith.constant 0 : i32
    %c0_i32_0 = arith.constant 0 : i32
    return %arg0, %c0_i32 : i32, i32
  }
  func.func @transform_4(%arg0: i32) -> (i32, i32) {
    %c0_i32 = arith.constant 0 : i32
    %c0_i32_0 = arith.constant 0 : i32
    %c0_i32_1 = arith.constant 0 : i32
    return %c0_i32, %c0_i32_0 : i32, i32
  }
  func.func @transform_5(%arg0: i32) -> (i32, i32) {
    %c0_i32 = arith.constant 0 : i32
    %c0_i32_0 = arith.constant 0 : i32
    %c0_i32_1 = arith.constant 0 : i32
    return %c0_i32, %c0_i32_0 : i32, i32
  }
}

</mosaic_0001>

<sc_bundles>
// kernel: kernel.5.cloned.1.call-start
scs
__scs_entry_jumppad:
0x0: {  	(pc) =	sbr.rel $0x88, $3  }
0x1: {  	(tag) =	ssettag $0x0;
	lr =	simm.s32 $0x1  }
0x2: {  	[smem:$0x3F9F] =	sst lr;
	_ =	strace $0xD0000000  }
0x3: {  	_ = 	snop  }
0x4: {  	_ = 	snop  }
0x5: {  	_ = 	snop  }
0x6: {  	_ = 	snop  }
0x7: {  	_ = 	snop  }
__scs_overlays_trampoline_lowered:
0x8: {  	[smem:$0x3FAE] =	sst s0  }
0x9: {  	[smem:$0x3FAF] =	sst s1  }
0xa: {  	[smem:$0x3FB0] =	sst s2  }
0xb: {  	[smem:$0x3FB1] =	sst s3  }
0xc: {  	[smem:$0x3FB2] =	sst s4  }
0xd: {  	[smem:$0x3FB3] =	sst s5  }
0xe: {  	[smem:$0x3FB4] =	sst s6  }
0xf: {  	[smem:$0x3FB5] =	sst s7  }
0x10: {  	[smem:$0x3FB6] =	sst s8  }
0x11: {  	[smem:$0x3FB7] =	sst s9;
	s0 =	simm.s32 @!p0 $0x0  }
0x12: {  	s1 =	sld [smem:$0x3F9D];
	s0 =	simm.s32 @p0 $0x1  }
0x13: {  	[smem:$0x3FB8] =	sst s0;
	s0 =	simm.s32 @!p1 $0x0  }
0x14: {  	s2 =	sld [smem:$0x3F9C];
	s0 =	simm.s32 @p1 $0x1  }
0x15: {  	[smem:$0x3FB9] =	sst s0;
	s0 =	simm.s32 @!p2 $0x0  }
0x16: {  	s3 =	sld [smem:$0x3FDB];
	s0 =	simm.s32 @p2 $0x1  }
0x17: {  	s4 =	simm.s32 $0x1BF5;
	[smem:$0x3FBB] =	sst s0  }
0x18: {  	s0 =	sld [smem:$0x3F9E];
	_ =	swait.ge [sflag:s4], $0x0  }
0x19: {  	s7 =	sld [smem:$0x3F9F]  }
0x1a: {  	s8 =	sadd.s32 $0xFFFFE003, lr  }
0x1b: {  	s9 =	sadd.s32 $0xFFFFFEF7, lr;
	s5 =	simm.s32 $0xFFFFFFFF;
	p2 =	slt.u32 s8, $0xFFFFF086  }
0x1c: {  	p1 =	slt.u32 s9, $0xF7A;
	s5 =	simm.s32 @!p2 $0x0  }
0x1d: {  	s5 =	simm.s32 @p1 $0x1;
	p0 =	seq.s32 s7, s2  }
0x1e: {  	s7 =	smul.u32 @!p0 $0xF7A, s2;
	p2 =	seq.s32 @!p0 s5, $0x0  }
0x1f: {  	s9 =	smul.u32 $0xF7A, s1;
	s8 =	simm.s32 @!p0 $0x1BF5;
	p2 =	por !p2, p0  }
0x20: {  	[sflag:s8] =	ssyncset.s32 @!p0 $0xFFFFF086;
	s6 =	sadd.s32 @!p0 s3, s7;
	s7 =	simm.s32 @!p0 $0x108  }
0x21: {  	s3 =	sadd.s32 s3, s9;
	s6 =	sadd.s32 @!p0 $0x88, s6;
	s7 =	simm.s32 @p2 $0x1082  }
0x22: {  	[simem:s7], [sflag:s8] =	dma.local @!p0 [hbm:s6], $0xF7A  }
0x23: {  	s9 =	sor.u32 $0xD0000000, s2;
	s6 =	simm.s32 $0x108;
	_ =	swait.ge @!p0 [sflag:s8], $0x0  }
0x24: {  	s3 =	sadd.s32 $0x88, s3;
	s6 =	simm.s32 @!p1 $0x1082;
	[sflag:s4] =	ssyncset.s32 $0xFFFFF086  }
0x25: {  	[simem:s6], [sflag:s4] =	dma.local [hbm:s3], $0xF7A  }
0x26: {  	[smem:$0x3F9F] =	sst s1;
	(tag) =	ssettag s2;
	_ =	strace s9  }
0x27: {  	s1 =	sld [smem:$0x3FAF]  }
0x28: {  	s2 =	sld [smem:$0x3FB0]  }
0x29: {  	s4 =	sld [smem:$0x3FB2]  }
0x2a: {  	p0 =	seq.s32 s5, $0x0;
	s5 =	sld [smem:$0x3FB3]  }
0x2b: {  	s6 =	sld [smem:$0x3FB4]  }
0x2c: {  	s7 =	sld [smem:$0x3FB5]  }
0x2d: {  	s3 =	simm.s32 $0x108;
	s8 =	sld [smem:$0x3FB6]  }
0x2e: {  	s3 =	simm.s32 @!p0 $0x1082;
	s9 =	sld [smem:$0x3FB7]  }
0x2f: {  	lr =	sadd.s32 s0, s3;
	s0 =	sld [smem:$0x3FAE]  }
0x30: {  	s3 =	sld [smem:$0x3FB1]  }
0x31: {  	[smem:$0x3FBA] =	sst s10  }
0x32: {  	s10 =	sld [smem:$0x3FB8];
	_ =	sdelay $0x3  }
0x33: {  	p0 =	seq.s32 s10, $0x1;
	s10 =	sld [smem:$0x3FBA];
	_ =	sdelay $0x3  }
0x34: {  	[smem:$0x3FBA] =	sst s10  }
0x35: {  	s10 =	sld [smem:$0x3FB9];
	_ =	sdelay $0x3  }
0x36: {  	p1 =	seq.s32 s10, $0x1;
	s10 =	sld [smem:$0x3FBA];
	_ =	sdelay $0x3  }
0x37: {  	[smem:$0x3FBA] =	sst s10  }
0x38: {  	s10 =	sld [smem:$0x3FBB]  }
0x39: {  	_ = 	snop;
	(pc) =	sbr.ind lr, $3  }
0x3a: {  	_ = 	snop  }
0x3b: {  	_ = 	snop  }
0x3c: {  	p2 =	seq.s32 s10, $0x1;
	s10 =	sld [smem:$0x3FBA]  }
0x3d: {  	_ =	shalt  }
0x3e: {  	_ =	shalt  }
0x3f: {  	_ =	shalt  }
0x40: {  	_ =	shalt  }
0x41: {  	_ =	shalt  }
0x42: {  	_ =	shalt  }
0x43: {  	_ =	shalt  }
0x44: {  	_ =	shalt  }
0x45: {  	_ =	shalt  }
0x46: {  	_ =	shalt  }
0x47: {  	_ =	shalt  }
0x48: {  	_ =	shalt  }
0x49: {  	_ =	shalt  }
0x4a: {  	_ =	shalt  }
0x4b: {  	_ =	shalt  }
0x4c: {  	_ =	shalt  }
0x4d: {  	_ =	shalt  }
0x4e: {  	_ =	shalt  }
0x4f: {  	_ =	shalt  }
0x50: {  	_ =	shalt  }
0x51: {  	_ =	shalt  }
0x52: {  	_ =	shalt  }
0x53: {  	_ =	shalt  }
0x54: {  	_ =	shalt  }
0x55: {  	_ =	shalt  }
0x56: {  	_ =	shalt  }
0x57: {  	_ =	shalt  }
0x58: {  	_ =	shalt  }
0x59: {  	_ =	shalt  }
0x5a: {  	_ =	shalt  }
0x5b: {  	_ =	shalt  }
0x5c: {  	_ =	shalt  }
0x5d: {  	_ =	shalt  }
0x5e: {  	_ =	shalt  }
0x5f: {  	_ =	shalt  }
0x60: {  	_ =	shalt  }
0x61: {  	_ =	shalt  }
0x62: {  	_ =	shalt  }
0x63: {  	_ =	shalt  }
0x64: {  	_ =	shalt  }
0x65: {  	_ =	shalt  }
0x66: {  	_ =	shalt  }
0x67: {  	_ =	shalt  }
0x68: {  	_ =	shalt  }
0x69: {  	_ =	shalt  }
0x6a: {  	_ =	shalt  }
0x6b: {  	_ =	shalt  }
0x6c: {  	_ =	shalt  }
0x6d: {  	_ =	shalt  }
0x6e: {  	_ =	shalt  }
0x6f: {  	_ =	shalt  }
0x70: {  	_ =	shalt  }
0x71: {  	_ =	shalt  }
0x72: {  	_ =	shalt  }
0x73: {  	_ =	shalt  }
0x74: {  	_ =	shalt  }
0x75: {  	_ =	shalt  }
0x76: {  	_ =	shalt  }
0x77: {  	_ =	shalt  }
0x78: {  	_ =	shalt  }
0x79: {  	_ =	shalt  }
0x7a: {  	_ =	shalt  }
0x7b: {  	_ =	shalt  }
0x7c: {  	_ =	shalt  }
0x7d: {  	_ =	shalt  }
0x7e: {  	_ =	shalt  }
0x7f: {  	_ =	shalt  }
0x80: {  	_ =	shalt  }
0x81: {  	_ =	shalt  }
0x82: {  	_ =	shalt  }
0x83: {  	_ =	shalt  }
0x84: {  	_ =	shalt  }
0x85: {  	_ =	shalt  }
0x86: {  	_ =	shalt  }
0x87: {  	_ =	shalt  }
.Lfunc_end0:
.L_simem_size_0:
called_computation_lowered:
.L_overlay_start_0:
0x88: {  	s2 =	sld [smem:$0x3FD9]  }
0x89: {  	s3 =	sld [smem:$0x3FFE];
	_ =	sdelay $0x1  }
0x8a: {  	s1 =	srdreg.scid  }
0x8b: {  	s0 =	sand.u32 $0x1, s1  }
0x8c: {  	s14 =	sshll.u32 s0, $0xA;
	s2 =	sadd.s32 s3, s2  }
0x8d: {  	s2 =	sadd.s32 s2, s14  }
0x8e: {  	[smem:$0x3FC6] =	sst s2  }
0x8f: {  	_ = 	snop  }
0x90: {  	s2 =	sld [smem:$0x3FD0];
	_ =	sdelay $0x2  }
0x91: {  	s4 =	simm.s32 $0xA;
	s5 =	simm.s32 $0x10;
	s15 =	sld [smem:$0x3FC8]  }
0x92: {  	[smem:s5], [sflag:s4] =	dma.local [hbm:s2], $0x1  }
0x93: {  	_ =	swait.eq [sflag:s4], $0x1  }
0x94: {  	[sflag:s4] =	ssyncset.done $0x0  }
0x95: {  	[sflag:s4] =	ssyncadd.s32 $0xFFFFFFFF  }
0x96: {  	s16 =	sld [smem:$0x10];
	(tm) =	ssettm $0x1  }
0x97: {  	s17 =	sld [smem:$0x3FFB];
	_ =	sdelay $0x3  }
0x98: {  	_ =	strace s17  }
0x99: {  	s4 =	sld [smem:$0x3FFC];
	_ =	sdelay $0x3  }
0x9a: {  	_ =	strace s4  }
0x9b: {  	s4 =	sld [smem:$0x3FFD];
	_ =	sdelay $0x3  }
0x9c: {  	_ =	strace s4  }
0x9d: {  	_ =	strace $0x8FFFFFFF  }
0x9e: {  	s18 =	sld [smem:$0x3FDB];
	_ =	sdelay $0x1  }
0x9f: {  	s19 =	simm.s32 $_scs_section_size  }
0xa0: {  	s6 =	simm.s32 $_size__tile_overlayer_lowered;
	s7 =	simm.s32 $_tile_overlayer_lowered  }
0xa1: {  	s22 =	simm.s32 $0x1BFF;
	s21 =	sshll.u32 s7, $0x1;
	s4 =	sadd.s32 s19, s18  }
0xa2: {  	s8 =	simm.s32 $0x0;
	s20 =	sshll.u32 s6, $0x1;
	s6 =	sadd.s32 s21, s4  }
0xa3: {  	[timem:s8], [sflag:s22] =	dma.local [hbm:s6], s20  }
0xa4: {  	_ =	swait.ge [sflag:s22], s20  }
0xa5: {  	s5 =	ssub.s32 $0x0, s20;
	[sflag:s22] =	ssyncset.done $0x0  }
0xa6: {  	[sflag:s22] =	ssyncadd.s32 s5;
	_ =	sdelay $0x1  }
0xa7: {  	s23 =	simm.s32 $0x1B8B  }
0xa8: {  	_ =	swait.ge [sflag:s23], $0x1  }
0xa9: {  	[sflag:s23] =	ssyncset.done $0x0  }
0xaa: {  	s25 =	simm.s32 $0x1B8E;
	s24 =	sld [smem:$0x3FFE];
	[sflag:s23] =	ssyncadd.s32 $0xFFFFFFFF  }
0xab: {  	s26 =	simm.s32 $execute0_lowered;
	[smem:$0x3FD2] =	sst s25  }
0xac: {  	s6 =	sshll.u32 s26, $0x1;
	_ =	strace $0x80000046;
	[dreg:$0x1] =	wrdreg $0xFFFFFFFF  }
0xad: {  	s28 =	simm.s32 $_size_execute0_lowered;
	s4 =	sadd.s32 s4, s6;
	[dreg:$0x0] =	wrdreg $0x0  }
0xae: {  	s6 =	sshll.u32 s28, $0x1;
	[dreg:$0x2] =	wrdreg s4  }
0xaf: {  	[dreg:$0x3] =	wrdreg s6  }
0xb0: {  	[dreg:$0x4] =	wrdreg $0xC0  }
0xb1: {  	_ =	task [dreg:s8], $0x5FFFF  }
0xb2: {  	[dreg:$0x1] =	wrdreg $0xFFFFFFFF  }
0xb3: {  	[dreg:$0x0] =	wrdreg $0x60  }
0xb4: {  	[dreg:$0x2] =	wrdreg s15  }
0xb5: {  	[dreg:$0x3] =	wrdreg s24  }
0xb6: {  	[dreg:$0x4] =	wrdreg s16  }
0xb7: {  	[dreg:$0x5] =	wrdreg $0x102000  }
0xb8: {  	[dreg:$0x6] =	wrdreg $0x9  }
0xb9: {  	_ =	task.clear_ibuf [dreg:s8], $0x7FFFF;
	_ =	strace $0x90000046  }
0xba: {  	s29 =	simm.s32 $0x9;
	_ =	strace $0x80000048  }
0xbb: {  	_ =	swait.ge [sflag:s29], $0x1  }
0xbc: {  	[sflag:s29] =	ssyncadd.s32 $0xFFFFFFFF  }
0xbd: {  	_ =	strace $0x90000048  }
0xbe: {  	_ =	sfence  }
0xbf: {  	s30 =	sld [smem:$0x0];
	_ =	sdelay $0x2  }
0xc0: {  	s31 =	sshll.u32 s1, $0xD;
	s1 =	sshrl.u32 s1, $0x2  }
0xc1: {  	s3 =	sand.u32 $0x4000, s31;
	s1 =	sadd.s32 s1, s30  }
0xc2: {  	s0 =	sor.u32 s3, s0;
	s1 =	sshll.u32 s1, $0x11  }
0xc3: {  	s0 =	sor.u32 s1, s0  }
0xc4: {  	s0 =	sadd.s32 $0x8F2B, s0  }
0xc5: {  	[sflag:s0] =	ssyncadd.remote.s32 $0x1  }
0xc6: {  	_ =	sfence.sel $0xFFFF  }
0xc7: {  	[dreg:$0x0] =	wrdreg $0xFFFFFFFF;
	(pc) =	sbr.abs _section_cstart, $3  }
0xc8: {  	[dreg:$0x1] =	wrdreg $0xFFFFFFFF  }
0xc9: {  	_ =	task.clear_ibuf [dreg:s8], $0x2FFFF;
	_ =	strace $0x9FFFFFFF  }
0xca: {  	(tm) =	ssettm $0x7FFFFFFF  }
0xcb: {  	_ =	shalt  }
tec
execute0_lowered:
.L_overlay_start_1:
0x0: {  	(tag) =	ssettag $0x1  }
0x1: {  	s0 =	rddreg [dreg:$0x0];
	s1 =	srdreg.scid  }
0x2: {  	s5 =	rddreg [dreg:$0x1];
	s6 =	stileid.u32;
	s7 =	sand.u32 $0x1, s1  }
0x3: {  	s8 =	rddreg [dreg:$0x2];
	s30 =	sshll.u32 s6, $0x2;
	s3 =	sshll.u32 s7, $0x1  }
0x4: {  	s2 =	rddreg [dreg:$0x3];
	s9 =	sor.u32 s3, s30;
	s3 =	simm.s32 $0x0  }
0x5: {  	s13 =	simm.s32 $0x900;
	[smem:$0x7FF] =	sst s3  }
0x6: {  	s14 =	simm.s32 $0x1100;
	_ =	strace $0x80000047;
	[dreg:$0xb] =	wrdreg s13  }
0x7: {  	s15 =	simm.s32 $0x1900;
	[dreg:$0xc] =	wrdreg s14  }
0x8: {  	s16 =	simm.s32 $0x2100;
	[dreg:$0xd] =	wrdreg s15  }
0x9: {  	s17 =	simm.s32 $0x2900;
	[dreg:$0xe] =	wrdreg s16  }
0xa: {  	s18 =	simm.s32 $0x3100;
	s19 =	simm.s32 $0x3900;
	[dreg:$0xf] =	wrdreg s17  }
0xb: {  	s20 =	simm.s32 $0x4100;
	s21 =	simm.s32 $0x4900;
	[dreg:$0x10] =	wrdreg s18  }
0xc: {  	s22 =	simm.s32 $0x5100;
	s23 =	simm.s32 $0x5900;
	[dreg:$0x11] =	wrdreg s19  }
0xd: {  	s24 =	simm.s32 $0x6100;
	s25 =	simm.s32 $0x6900;
	[dreg:$0x12] =	wrdreg s20  }
0xe: {  	s28 =	simm.s32 $0x7100;
	s29 =	simm.s32 $0x7900;
	[dreg:$0x13] =	wrdreg s21  }
0xf: {  	s10 =	sshll.u32 s6, $0x9;
	p0 =	sne.s32 s6, $0x0;
	[dreg:$0x14] =	wrdreg s22  }
0x10: {  	s31 =	sshll.u32 s7, $0x4;
	s7 =	ssub.s32 $0x2, s7;
	[dreg:$0x15] =	wrdreg s23  }
0x11: {  	s6 =	simm.s32 $0x2;
	s26 =	sshrl.u32 s7, $0x1;
	[dreg:$0x16] =	wrdreg s24  }
0x12: {  	s30 =	simm.s32 $0x8100;
	s4 =	sshll.u32 s9, $0x4;
	[dreg:$0x17] =	wrdreg s25  }
0x13: {  	s9 =	sshll.u32 s9, $0xC;
	s7 =	ssub.s32 s7, s26;
	[dreg:$0x18] =	wrdreg s28  }
0x14: {  	s4 =	sadd.s32 s4, s5;
	s5 =	sadd.s32 s31, s5;
	[dreg:$0x19] =	wrdreg s29  }
0x15: {  	s12 =	sadd.s32 s8, s9;
	[dreg:$0x1a] =	wrdreg s30;
	s31 =	simm.s32 $0x8900  }
0x16: {  	s8 =	simm.s32 $0x9100;
	s9 =	simm.s32 $0x9900;
	s13 =	simm.s32 $0xB900  }
0x17: {  	s14 =	simm.s32 $0xC100;
	s15 =	simm.s32 $0xC900;
	s16 =	simm.s32 $0xD100  }
0x18: {  	s17 =	simm.s32 $0xD900;
	s18 =	simm.s32 $0xE100;
	s19 =	simm.s32 $0xE900  }
0x19: {  	s20 =	simm.s32 $0xF100;
	s21 =	simm.s32 $0xF900;
	s22 =	simm.s32 $0x10180  }
0x1a: {  	s23 =	simm.s32 $0x80;
	s24 =	simm.s32 $0x10100;
	[dreg:$0xa] =	wrdreg s12  }
0x1b: {  	s25 =	simm.s32 $0x1;
	s11 =	sadd.s32 $0x1000, s4;
	[dreg:$0x1b] =	wrdreg s31  }
0x1c: {  	s4 =	sadd.s32 s10, s2;
	s5 =	sadd.s32 $0x1400, s5;
	[dreg:$0x5] =	wrdreg s11  }
0x1d: {  	s12 =	simm.s32 $0xB100;
	s10 =	sadd.s32 $0x80, s4;
	[dreg:$0x9] =	wrdreg s5  }
0x1e: {  	v2 =	vlaneseq.u32;
	vm0 =	vmmov $0xffff;
	s1 =	sadd.s32 $0x100, s4;
	s11 =	sadd.s32 $0x180, s4;
	[dreg:$0x6] =	wrdreg s10  }
0x1f: {  	v3 =	vimm.f32 $1.000000000e+00;
	v4 =	vimm.f32 $0.0e+00;
	v1 =	vshrl.u32 v2, $0x3;
	s5 =	smax.u32 s7, $0x1;
	s7 =	simm.s32 $0x100;
	[dreg:$0x7] =	wrdreg s1  }
0x20: {  	v0 =	vand.u32 $0x7, v2;
	v2 =	vor.u32 $0x8, v2;
	v1 =	vmul.u32 $0x8, v1;
	[dreg:$0x8] =	wrdreg s11;
	s10 =	simm.s32 $0xA100;
	s11 =	simm.s32 $0xA900  }
.LBB2_1:
0x21: {  	s26 =	rddreg [dreg:$0x5]  }
0x22: {  	[tilespmem:s3], [sflag:$0x2] =	stream.linear.gather [hbm4b:s26+s3], $0x100, $0x38;
	[tilespmem:$0x10400] =	vst v63  }
0x23: {  	_ =	swait.ge [sflag:s6], $0x100  }
0x24: {  	[sflag:s6] =	ssyncset.done $0x0  }
0x25: {  	[sflag:s6] =	ssyncadd.s32 $0xFFFFFF00  }
0x26: {  	v5 =	vld [tilespmem:$0x0];
	_ =	sdelay $0x4  }
0x27: {  	v6 =	vshll.u32 v5, $0x1  }
0x28: {  	v5 =	vand.u32 $0x7, v5;
	v6 =	vand.u32 $0xFFFFFFF0, v6  }
0x29: {  	v5 =	vor.u32 v5, v6  }
0x2a: {  	v6 =	vperm.xlane v5, v0;
	_ =	sdelay $0x1  }
0x2b: {  	v5 =	vperm.xlane v5, v2;
	v6 =	vadd.s32 v1, v6;
	_ =	sdelay $0x1  }
0x2c: {  	v5 =	vadd.s32 v1, v5;
	_ =	sdelay $0x2  }
0x2d: {  	[tilespmem:s7], [sflag:$0x1] =	stream.indirect_vreg.gather [hbm4b:s0+s3], $0x80, v6, vm0, $0xb8;
	[tilespmem:$0x10400] =	vst v63  }
0x2e: {  	s29 =	rddreg [dreg:$0xb]  }
0x2f: {  	[tilespmem:s29], [sflag:$0x1] =	stream.indirect_vreg.gather [hbm4b:s0+s3], $0x80, v5, vm0, $0xb8;
	[tilespmem:$0x10400] =	vst v63  }
0x30: {  	v5 =	vld [tilespmem:$0x10];
	_ =	sdelay $0x4  }
0x31: {  	v6 =	vshll.u32 v5, $0x1  }
0x32: {  	v5 =	vand.u32 $0x7, v5;
	v6 =	vand.u32 $0xFFFFFFF0, v6  }
0x33: {  	v5 =	vor.u32 v5, v6  }
0x34: {  	v6 =	vperm.xlane v5, v0;
	_ =	sdelay $0x1  }
0x35: {  	v5 =	vperm.xlane v5, v2;
	v6 =	vadd.s32 v1, v6;
	_ =	sdelay $0x1  }
0x36: {  	v5 =	vadd.s32 v1, v5;
	_ =	sdelay $0x1  }
0x37: {  	s30 =	rddreg [dreg:$0xc]  }
0x38: {  	[tilespmem:s30], [sflag:$0x1] =	stream.indirect_vreg.gather [hbm4b:s0+s3], $0x80, v6, vm0, $0xb8;
	[tilespmem:$0x10400] =	vst v63  }
0x39: {  	s28 =	rddreg [dreg:$0xd]  }
0x3a: {  	[tilespmem:s28], [sflag:$0x1] =	stream.indirect_vreg.gather [hbm4b:s0+s3], $0x80, v5, vm0, $0xb8;
	[tilespmem:$0x10400] =	vst v63  }
0x3b: {  	v5 =	vld [tilespmem:$0x20];
	_ =	sdelay $0x4  }
0x3c: {  	v6 =	vshll.u32 v5, $0x1  }
0x3d: {  	v5 =	vand.u32 $0x7, v5;
	v6 =	vand.u32 $0xFFFFFFF0, v6  }
0x3e: {  	v5 =	vor.u32 v5, v6  }
0x3f: {  	v6 =	vperm.xlane v5, v0;
	_ =	sdelay $0x1  }
0x40: {  	v5 =	vperm.xlane v5, v2;
	v6 =	vadd.s32 v1, v6;
	_ =	sdelay $0x1  }
0x41: {  	v5 =	vadd.s32 v1, v5;
	_ =	sdelay $0x1  }
0x42: {  	s31 =	rddreg [dreg:$0xe]  }
0x43: {  	[tilespmem:s31], [sflag:$0x1] =	stream.indirect_vreg.gather [hbm4b:s0+s3], $0x80, v6, vm0, $0xb8;
	[tilespmem:$0x10400] =	vst v63  }
0x44: {  	s1 =	rddreg [dreg:$0xf]  }
0x45: {  	[tilespmem:s1], [sflag:$0x1] =	stream.indirect_vreg.gather [hbm4b:s0+s3], $0x80, v5, vm0, $0xb8;
	[tilespmem:$0x10400] =	vst v63  }
0x46: {  	v5 =	vld [tilespmem:$0x30];
	_ =	sdelay $0x4  }
0x47: {  	v6 =	vshll.u32 v5, $0x1  }
0x48: {  	v5 =	vand.u32 $0x7, v5;
	v6 =	vand.u32 $0xFFFFFFF0, v6  }
0x49: {  	v5 =	vor.u32 v5, v6  }
0x4a: {  	v6 =	vperm.xlane v5, v0;
	_ =	sdelay $0x1  }
0x4b: {  	v5 =	vperm.xlane v5, v2;
	v6 =	vadd.s32 v1, v6;
	_ =	sdelay $0x1  }
0x4c: {  	v5 =	vadd.s32 v1, v5;
	_ =	sdelay $0x1  }
0x4d: {  	s29 =	rddreg [dreg:$0x10]  }
0x4e: {  	[tilespmem:s29], [sflag:$0x1] =	stream.indirect_vreg.gather [hbm4b:s0+s3], $0x80, v6, vm0, $0xb8;
	[tilespmem:$0x10400] =	vst v63  }
0x4f: {  	s30 =	rddreg [dreg:$0x11]  }
0x50: {  	[tilespmem:s30], [sflag:$0x1] =	stream.indirect_vreg.gather [hbm4b:s0+s3], $0x80, v5, vm0, $0xb8;
	[tilespmem:$0x10400] =	vst v63  }
0x51: {  	v5 =	vld [tilespmem:$0x40];
	_ =	sdelay $0x4  }
0x52: {  	v6 =	vshll.u32 v5, $0x1  }
0x53: {  	v5 =	vand.u32 $0x7, v5;
	v6 =	vand.u32 $0xFFFFFFF0, v6  }
0x54: {  	v5 =	vor.u32 v5, v6  }
0x55: {  	v6 =	vperm.xlane v5, v0;
	_ =	sdelay $0x1  }
0x56: {  	v5 =	vperm.xlane v5, v2;
	v6 =	vadd.s32 v1, v6;
	_ =	sdelay $0x1  }
0x57: {  	v5 =	vadd.s32 v1, v5;
	_ =	sdelay $0x1  }
0x58: {  	s31 =	rddreg [dreg:$0x12]  }
0x59: {  	[tilespmem:s31], [sflag:$0x1] =	stream.indirect_vreg.gather [hbm4b:s0+s3], $0x80, v6, vm0, $0xb8;
	[tilespmem:$0x10400] =	vst v63  }
0x5a: {  	s1 =	rddreg [dreg:$0x13]  }
0x5b: {  	[tilespmem:s1], [sflag:$0x1] =	stream.indirect_vreg.gather [hbm4b:s0+s3], $0x80, v5, vm0, $0xb8;
	[tilespmem:$0x10400] =	vst v63  }
0x5c: {  	v5 =	vld [tilespmem:$0x50];
	_ =	sdelay $0x4  }
0x5d: {  	v6 =	vshll.u32 v5, $0x1  }
0x5e: {  	v5 =	vand.u32 $0x7, v5;
	v6 =	vand.u32 $0xFFFFFFF0, v6  }
0x5f: {  	v5 =	vor.u32 v5, v6  }
0x60: {  	v6 =	vperm.xlane v5, v0;
	_ =	sdelay $0x1  }
0x61: {  	v5 =	vperm.xlane v5, v2;
	v6 =	vadd.s32 v1, v6;
	_ =	sdelay $0x1  }
0x62: {  	v5 =	vadd.s32 v1, v5;
	_ =	sdelay $0x1  }
0x63: {  	s29 =	rddreg [dreg:$0x14]  }
0x64: {  	[tilespmem:s29], [sflag:$0x1] =	stream.indirect_vreg.gather [hbm4b:s0+s3], $0x80, v6, vm0, $0xb8;
	[tilespmem:$0x10400] =	vst v63  }
0x65: {  	s30 =	rddreg [dreg:$0x15]  }
0x66: {  	[tilespmem:s30], [sflag:$0x1] =	stream.indirect_vreg.gather [hbm4b:s0+s3], $0x80, v5, vm0, $0xb8;
	[tilespmem:$0x10400] =	vst v63  }
0x67: {  	v5 =	vld [tilespmem:$0x60];
	_ =	sdelay $0x4  }
0x68: {  	v6 =	vshll.u32 v5, $0x1  }
0x69: {  	v5 =	vand.u32 $0x7, v5;
	v6 =	vand.u32 $0xFFFFFFF0, v6  }
0x6a: {  	v5 =	vor.u32 v5, v6  }
0x6b: {  	v6 =	vperm.xlane v5, v0;
	_ =	sdelay $0x1  }
0x6c: {  	v5 =	vperm.xlane v5, v2;
	v6 =	vadd.s32 v1, v6;
	_ =	sdelay $0x1  }
0x6d: {  	v5 =	vadd.s32 v1, v5;
	_ =	sdelay $0x1  }
0x6e: {  	s31 =	rddreg [dreg:$0x16]  }
0x6f: {  	[tilespmem:s31], [sflag:$0x1] =	stream.indirect_vreg.gather [hbm4b:s0+s3], $0x80, v6, vm0, $0xb8;
	[tilespmem:$0x10400] =	vst v63  }
0x70: {  	s1 =	rddreg [dreg:$0x17]  }
0x71: {  	[tilespmem:s1], [sflag:$0x1] =	stream.indirect_vreg.gather [hbm4b:s0+s3], $0x80, v5, vm0, $0xb8;
	[tilespmem:$0x10400] =	vst v63  }
0x72: {  	v5 =	vld [tilespmem:$0x70];
	_ =	sdelay $0x4  }
0x73: {  	v6 =	vshll.u32 v5, $0x1  }
0x74: {  	v5 =	vand.u32 $0x7, v5;
	v6 =	vand.u32 $0xFFFFFFF0, v6  }
0x75: {  	v5 =	vor.u32 v5, v6  }
0x76: {  	v6 =	vperm.xlane v5, v0;
	_ =	sdelay $0x1  }
0x77: {  	v5 =	vperm.xlane v5, v2;
	v6 =	vadd.s32 v1, v6;
	_ =	sdelay $0x1  }
0x78: {  	v5 =	vadd.s32 v1, v5;
	_ =	sdelay $0x1  }
0x79: {  	s29 =	rddreg [dreg:$0x18]  }
0x7a: {  	[tilespmem:s29], [sflag:$0x1] =	stream.indirect_vreg.gather [hbm4b:s0+s3], $0x80, v6, vm0, $0xb8;
	[tilespmem:$0x10400] =	vst v63  }
0x7b: {  	s30 =	rddreg [dreg:$0x19]  }
0x7c: {  	[tilespmem:s30], [sflag:$0x1] =	stream.indirect_vreg.gather [hbm4b:s0+s3], $0x80, v5, vm0, $0xb8;
	[tilespmem:$0x10400] =	vst v63  }
0x7d: {  	v5 =	vld [tilespmem:$0x80];
	_ =	sdelay $0x4  }
0x7e: {  	v6 =	vshll.u32 v5, $0x1  }
0x7f: {  	v5 =	vand.u32 $0x7, v5;
	v6 =	vand.u32 $0xFFFFFFF0, v6  }
0x80: {  	v5 =	vor.u32 v5, v6  }
0x81: {  	v6 =	vperm.xlane v5, v0;
	_ =	sdelay $0x1  }
0x82: {  	v5 =	vperm.xlane v5, v2;
	v6 =	vadd.s32 v1, v6;
	_ =	sdelay $0x1  }
0x83: {  	v5 =	vadd.s32 v1, v5;
	_ =	sdelay $0x1  }
0x84: {  	s31 =	rddreg [dreg:$0x1a]  }
0x85: {  	[tilespmem:s31], [sflag:$0x1] =	stream.indirect_vreg.gather [hbm4b:s0+s3], $0x80, v6, vm0, $0xb8;
	[tilespmem:$0x10400] =	vst v63  }
0x86: {  	s1 =	rddreg [dreg:$0x1b]  }
0x87: {  	[tilespmem:s1], [sflag:$0x1] =	stream.indirect_vreg.gather [hbm4b:s0+s3], $0x80, v5, vm0, $0xb8;
	[tilespmem:$0x10400] =	vst v63  }
0x88: {  	v5 =	vld [tilespmem:$0x90];
	_ =	sdelay $0x4  }
0x89: {  	v6 =	vshll.u32 v5, $0x1  }
0x8a: {  	v5 =	vand.u32 $0x7, v5;
	v6 =	vand.u32 $0xFFFFFFF0, v6  }
0x8b: {  	v5 =	vor.u32 v5, v6  }
0x8c: {  	v6 =	vperm.xlane v5, v0;
	_ =	sdelay $0x1  }
0x8d: {  	v5 =	vperm.xlane v5, v2;
	v6 =	vadd.s32 v1, v6;
	_ =	sdelay $0x1  }
0x8e: {  	v5 =	vadd.s32 v1, v5;
	_ =	sdelay $0x2  }
0x8f: {  	[tilespmem:s8], [sflag:$0x1] =	stream.indirect_vreg.gather [hbm4b:s0+s3], $0x80, v6, vm0, $0xb8;
	[tilespmem:$0x10400] =	vst v63  }
0x90: {  	_ = 	snop  }
0x91: {  	[tilespmem:s9], [sflag:$0x1] =	stream.indirect_vreg.gather [hbm4b:s0+s3], $0x80, v5, vm0, $0xb8;
	[tilespmem:$0x10400] =	vst v63  }
0x92: {  	v5 =	vld [tilespmem:$0xA0];
	_ =	sdelay $0x4  }
0x93: {  	v6 =	vshll.u32 v5, $0x1  }
0x94: {  	v5 =	vand.u32 $0x7, v5;
	v6 =	vand.u32 $0xFFFFFFF0, v6  }
0x95: {  	v5 =	vor.u32 v5, v6  }
0x96: {  	v6 =	vperm.xlane v5, v0;
	_ =	sdelay $0x1  }
0x97: {  	v5 =	vperm.xlane v5, v2;
	v6 =	vadd.s32 v1, v6;
	_ =	sdelay $0x1  }
0x98: {  	v5 =	vadd.s32 v1, v5;
	_ =	sdelay $0x2  }
0x99: {  	[tilespmem:s10], [sflag:$0x1] =	stream.indirect_vreg.gather [hbm4b:s0+s3], $0x80, v6, vm0, $0xb8;
	[tilespmem:$0x10400] =	vst v63  }
0x9a: {  	_ = 	snop  }
0x9b: {  	[tilespmem:s11], [sflag:$0x1] =	stream.indirect_vreg.gather [hbm4b:s0+s3], $0x80, v5, vm0, $0xb8;
	[tilespmem:$0x10400] =	vst v63  }
0x9c: {  	v5 =	vld [tilespmem:$0xB0];
	_ =	sdelay $0x4  }
0x9d: {  	v6 =	vshll.u32 v5, $0x1  }
0x9e: {  	v5 =	vand.u32 $0x7, v5;
	v6 =	vand.u32 $0xFFFFFFF0, v6  }
0x9f: {  	v5 =	vor.u32 v5, v6  }
0xa0: {  	v6 =	vperm.xlane v5, v0;
	_ =	sdelay $0x1  }
0xa1: {  	v5 =	vperm.xlane v5, v2;
	v6 =	vadd.s32 v1, v6;
	_ =	sdelay $0x1  }
0xa2: {  	v5 =	vadd.s32 v1, v5;
	_ =	sdelay $0x2  }
0xa3: {  	[tilespmem:s12], [sflag:$0x1] =	stream.indirect_vreg.gather [hbm4b:s0+s3], $0x80, v6, vm0, $0xb8;
	[tilespmem:$0x10400] =	vst v63  }
0xa4: {  	_ = 	snop  }
0xa5: {  	[tilespmem:s13], [sflag:$0x1] =	stream.indirect_vreg.gather [hbm4b:s0+s3], $0x80, v5, vm0, $0xb8;
	[tilespmem:$0x10400] =	vst v63  }
0xa6: {  	v5 =	vld [tilespmem:$0xC0];
	_ =	sdelay $0x4  }
0xa7: {  	v6 =	vshll.u32 v5, $0x1  }
0xa8: {  	v5 =	vand.u32 $0x7, v5;
	v6 =	vand.u32 $0xFFFFFFF0, v6  }
0xa9: {  	v5 =	vor.u32 v5, v6  }
0xaa: {  	v6 =	vperm.xlane v5, v0;
	_ =	sdelay $0x1  }
0xab: {  	v5 =	vperm.xlane v5, v2;
	v6 =	vadd.s32 v1, v6;
	_ =	sdelay $0x1  }
0xac: {  	v5 =	vadd.s32 v1, v5;
	_ =	sdelay $0x2  }
0xad: {  	[tilespmem:s14], [sflag:$0x1] =	stream.indirect_vreg.gather [hbm4b:s0+s3], $0x80, v6, vm0, $0xb8;
	[tilespmem:$0x10400] =	vst v63  }
0xae: {  	_ = 	snop  }
0xaf: {  	[tilespmem:s15], [sflag:$0x1] =	stream.indirect_vreg.gather [hbm4b:s0+s3], $0x80, v5, vm0, $0xb8;
	[tilespmem:$0x10400] =	vst v63  }
0xb0: {  	v5 =	vld [tilespmem:$0xD0];
	_ =	sdelay $0x4  }
0xb1: {  	v6 =	vshll.u32 v5, $0x1  }
0xb2: {  	v5 =	vand.u32 $0x7, v5;
	v6 =	vand.u32 $0xFFFFFFF0, v6  }
0xb3: {  	v5 =	vor.u32 v5, v6  }
0xb4: {  	v6 =	vperm.xlane v5, v0;
	_ =	sdelay $0x1  }
0xb5: {  	v5 =	vperm.xlane v5, v2;
	v6 =	vadd.s32 v1, v6;
	_ =	sdelay $0x1  }
0xb6: {  	v5 =	vadd.s32 v1, v5;
	_ =	sdelay $0x2  }
0xb7: {  	[tilespmem:s16], [sflag:$0x1] =	stream.indirect_vreg.gather [hbm4b:s0+s3], $0x80, v6, vm0, $0xb8;
	[tilespmem:$0x10400] =	vst v63  }
0xb8: {  	_ = 	snop  }
0xb9: {  	[tilespmem:s17], [sflag:$0x1] =	stream.indirect_vreg.gather [hbm4b:s0+s3], $0x80, v5, vm0, $0xb8;
	[tilespmem:$0x10400] =	vst v63  }
0xba: {  	v5 =	vld [tilespmem:$0xE0];
	_ =	sdelay $0x4  }
0xbb: {  	v6 =	vshll.u32 v5, $0x1  }
0xbc: {  	v5 =	vand.u32 $0x7, v5;
	v6 =	vand.u32 $0xFFFFFFF0, v6  }
0xbd: {  	v5 =	vor.u32 v5, v6  }
0xbe: {  	v6 =	vperm.xlane v5, v0;
	_ =	sdelay $0x1  }
0xbf: {  	v5 =	vperm.xlane v5, v2;
	v6 =	vadd.s32 v1, v6;
	_ =	sdelay $0x1  }
0xc0: {  	v5 =	vadd.s32 v1, v5;
	_ =	sdelay $0x2  }
0xc1: {  	[tilespmem:s18], [sflag:$0x1] =	stream.indirect_vreg.gather [hbm4b:s0+s3], $0x80, v6, vm0, $0xb8;
	[tilespmem:$0x10400] =	vst v63  }
0xc2: {  	_ = 	snop  }
0xc3: {  	[tilespmem:s19], [sflag:$0x1] =	stream.indirect_vreg.gather [hbm4b:s0+s3], $0x80, v5, vm0, $0xb8;
	[tilespmem:$0x10400] =	vst v63  }
0xc4: {  	v5 =	vld [tilespmem:$0xF0];
	_ =	sdelay $0x4  }
0xc5: {  	v6 =	vshll.u32 v5, $0x1  }
0xc6: {  	v5 =	vand.u32 $0x7, v5;
	v6 =	vand.u32 $0xFFFFFFF0, v6  }
0xc7: {  	v5 =	vor.u32 v5, v6  }
0xc8: {  	v6 =	vperm.xlane v5, v0;
	_ =	sdelay $0x1  }
0xc9: {  	v5 =	vperm.xlane v5, v2;
	v6 =	vadd.s32 v1, v6;
	_ =	sdelay $0x1  }
0xca: {  	v5 =	vadd.s32 v1, v5;
	_ =	sdelay $0x2  }
0xcb: {  	[tilespmem:s20], [sflag:$0x1] =	stream.indirect_vreg.gather [hbm4b:s0+s3], $0x80, v6, vm0, $0xb8;
	[tilespmem:$0x10400] =	vst v63  }
0xcc: {  	_ = 	snop  }
0xcd: {  	[tilespmem:s21], [sflag:$0x1] =	stream.indirect_vreg.gather [hbm4b:s0+s3], $0x80, v5, vm0, $0xb8;
	[tilespmem:$0x10400] =	vst v63  }
0xce: {  	[tilespmem:$0x10100] =	vst v3  }
0xcf: {  	[tilespmem:$0x10180] =	vst v4  }
0xd0: {  	[tilespmem:$0x10110] =	vst v3  }
0xd1: {  	[tilespmem:$0x10190] =	vst v4  }
0xd2: {  	[tilespmem:$0x10120] =	vst v3  }
0xd3: {  	[tilespmem:$0x101A0] =	vst v4  }
0xd4: {  	[tilespmem:$0x10130] =	vst v3  }
0xd5: {  	[tilespmem:$0x101B0] =	vst v4  }
0xd6: {  	[tilespmem:$0x10140] =	vst v3  }
0xd7: {  	[tilespmem:$0x101C0] =	vst v4  }
0xd8: {  	[tilespmem:$0x10150] =	vst v3  }
0xd9: {  	[tilespmem:$0x101D0] =	vst v4  }
0xda: {  	[tilespmem:$0x10160] =	vst v3  }
0xdb: {  	[tilespmem:$0x101E0] =	vst v4  }
0xdc: {  	[tilespmem:$0x10170] =	vst v3  }
0xdd: {  	[tilespmem:$0x101F0] =	vst v4  }
0xde: {  	[spmem:s4] =	stream.linear.scatter [tilespmem:s22], [sflag:$0x2], $0x80, $0x38;
	[tilespmem:$0x10400] =	vst v63  }
0xdf: {  	_ =	swait.ge [sflag:s6], $0x80  }
0xe0: {  	[sflag:s6] =	ssyncset.done $0x0  }
0xe1: {  	s28 =	rddreg [dreg:$0x6];
	[sflag:s6] =	ssyncadd.s32 $0xFFFFFF80  }
0xe2: {  	[spmem:s28] =	stream.linear.scatter [tilespmem:s22], [sflag:$0x2], $0x80, $0x38;
	[tilespmem:$0x10400] =	vst v63  }
0xe3: {  	_ =	swait.ge [sflag:s6], $0x80  }
0xe4: {  	[sflag:s6] =	ssyncset.done $0x0  }
0xe5: {  	s29 =	rddreg [dreg:$0x7];
	[sflag:s6] =	ssyncadd.s32 $0xFFFFFF80  }
0xe6: {  	[spmem:s29] =	stream.linear.scatter [tilespmem:s22], [sflag:$0x2], $0x80, $0x38;
	[tilespmem:$0x10400] =	vst v63  }
0xe7: {  	_ =	swait.ge [sflag:s6], $0x80  }
0xe8: {  	[sflag:s6] =	ssyncset.done $0x0  }
0xe9: {  	s30 =	rddreg [dreg:$0x8];
	[sflag:s6] =	ssyncadd.s32 $0xFFFFFF80  }
0xea: {  	[spmem:s30] =	stream.linear.scatter [tilespmem:s22], [sflag:$0x2], $0x80, $0x38;
	[tilespmem:$0x10400] =	vst v63  }
0xeb: {  	_ =	swait.ge [sflag:s6], $0x80  }
0xec: {  	[sflag:s6] =	ssyncset.done $0x0  }
0xed: {  	[sflag:s6] =	ssyncadd.s32 $0xFFFFFF80  }
0xee: {  	[bflag:$0x0] =	sbarrier.arrive $0xFFFF  }
0xef: {  	[spmem:s2] =	stream.indirect.scatter.add.f32 [tilespmem:s24], [sflag:$0x2], $0x1, s3, s23, $0xb8;
	[tilespmem:$0x10400] =	vst v63  }
0xf0: {  	_ =	swait.ge [sflag:s6], $0x80  }
0xf1: {  	[sflag:s6] =	ssyncset.done $0x0  }
0xf2: {  	[sflag:s6] =	ssyncadd.s32 $0xFFFFFF80  }
0xf3: {  	[spmem:s2] =	stream.indirect.scatter.add.f32 [tilespmem:s24], [sflag:$0x2], $0x1, s23, s23, $0xb8;
	[tilespmem:$0x10400] =	vst v63  }
0xf4: {  	_ =	swait.ge [sflag:s6], $0x80  }
0xf5: {  	[sflag:s6] =	ssyncset.done $0x0  }
0xf6: {  	s31 =	simm.s32 @!p0 $0x10;
	[sflag:s6] =	ssyncadd.s32 $0xFFFFFF80  }
0xf7: {  	s1 =	simm.s32 @!p0 $0x1C02;
	s28 =	sshrl.u32 @!p0 s2, $0x3;
	[bflag:$0x0] =	sbarrier.arrive $0xFFFF  }
0xf8: {  	s29 =	simm.s32 @!p0 $0x1;
	s30 =	simm.s32 @!p0 $0x20;
	s26 =	rddreg [dreg:$0x9]  }
0xf9: {  	[hbm:s26@s30], [sflag:s1] =	dma.strided @!p0 [spmem:s28@s31], $0x400, s29, $0x10   }
0xfa: {  	s1 =	simm.s32 @!p0 $0x2  }
0xfb: {  	_ =	swait.ge @!p0 [sflag:s1], $0x400  }
0xfc: {  	[sflag:s1] =	ssyncset.done @!p0 $0x0  }
0xfd: {  	[sflag:s1] =	ssyncadd.s32 @!p0 $0xFFFFFC00  }
0xfe: {  	_ =	swait.ge [sflag:s25], $0x8000  }
0xff: {  	[sflag:s25] =	ssyncset.done $0x0  }
0x100: {  	[sflag:s25] =	ssyncadd.s32 $0xFFFF8000  }
0x101: {  	s5 =	sadd.s32 $0xFFFFFFFF, s5;
	_ =	swait.ge [sflag:s25], $0x8000  }
0x102: {  	p1 =	sne.s32 s5, $0x0;
	[sflag:s25] =	ssyncset.done $0x0  }
.Ltmp0:
0x103: {  	s31 =	rddreg [dreg:$0xa];
	[sflag:s25] =	ssyncadd.s32 $0xFFFF8000;
	(pc) =	sbr.rel @p1 .LBB2_1-.Ltmp0, $4  }
0x104: {  	[hbm4b:s31+s3] =	stream.linear.scatter [tilespmem:s7], [sflag:$0x2], $0x10000, $0x38;
	[tilespmem:$0x10400] =	vst v63  }
0x105: {  	_ =	swait.ge [sflag:s6], $0x10000  }
0x106: {  	[sflag:s6] =	ssyncset.done $0x0  }
0x107: {  	[sflag:s6] =	ssyncadd.s32 $0xFFFF0000  }
0x108: {  	_ =	sfence.sel $0x180000  }
0x109: {  	[bflag:$0x0] =	sbarrier.arrive $0xFFFF  }
0x10a: {  	_ =	strace $0x90000047  }
0x10b: {  	[bflag:$0x2] =	sbarrier.arrive $0xFFFF  }
0x10c: {  	s0 =	rddreg [dreg:$0x4]  }
0x10d: {  	s0 =	sadd.s32 @!p0 $0x100000, s0  }
0x10e: {  	[sflag:s0] =	ssyncadd.tile.s32 @!p0 $0x1;
	_ =	shalt  }
.Lfunc_end2:
_tile_overlayer_lowered:
.L_overlay_start_2:
0x10f: {  	(tag) =	ssettag $0x2  }
0x110: {  	s0 =	rddreg [dreg:$0x0];
	s2 =	stileid.u32  }
0x111: {  	s1 =	rddreg [dreg:$0x1];
	p0 =	sne.s32 s2, $0x0  }
0x112: {  	s3 =	rddreg [dreg:$0x2];
	[bflag:$0x3] =	sbarrier.arrive $0xFFFF;
	s2 =	simm.s32 @!p0 $0x1C02  }
0x113: {  	[timem:s3], [sflag:s2] =	dma.local @!p0 [hbm:s0], s1  }
0x114: {  	s0 =	simm.s32 @!p0 $0x2  }
0x115: {  	_ =	swait.ge @!p0 [sflag:s0], s1  }
0x116: {  	s1 =	ssub.s32 @!p0 $0x0, s1;
	[sflag:s0] =	ssyncset.done @!p0 $0x0  }
0x117: {  	[sflag:s0] =	ssyncadd.s32 @!p0 s1  }
0x118: {  	[bflag:$0x3] =	sbarrier.arrive $0xFFFF  }
0x119: {  	_ =	shalt  }

</sc_bundles>
